<compile_context>
chip_gen: v7x
topology: tpu7x:2x2x1
jax: 0.10.2.dev20260603
libtpu: 0.0.44.dev20260713+nightly
codegen_flags: <defaults>
</compile_context>

<pallas_src>
import functools

import jax
import jax.numpy as jnp
from jax import lax
from jax.experimental import pallas as pl
from jax.experimental.pallas import tpu as pltpu
from jax.experimental.pallas import tpu_sc as plsc

BATCH = 16384
N_FIELDS = 26
EMBED_DIM = 128
TOTAL = BATCH * N_FIELDS

NC = 2
NS = 16
NW = NC * NS
B_PER_W = BATCH // NW
ROWS = 128
DMAS_PER_F = B_PER_W // ROWS
N_DMAS = N_FIELDS * DMAS_PER_F
NBUF = 4
LAG = 2


def _make_kernel():
    mesh = plsc.VectorSubcoreMesh(core_axis_name="c", subcore_axis_name="s")

    @functools.partial(
        pl.kernel,
        mesh=mesh,
        out_type=jax.ShapeDtypeStruct((TOTAL, EMBED_DIM), jnp.float32),
        scratch_types=[pltpu.VMEM((N_FIELDS, B_PER_W), jnp.int32)]
        + [pltpu.VMEM((ROWS, EMBED_DIM), jnp.float32) for _ in range(NBUF)]
        + [pltpu.SemaphoreType.DMA for _ in range(2 * NBUF + 1)],
    )
    def k(x_hbm, table_hbm, out_hbm, idx_v, *rest):
        bufs = rest[:NBUF]
        gsems = rest[NBUF : 2 * NBUF]
        osems = rest[2 * NBUF : 3 * NBUF]
        isem = rest[3 * NBUF]

        wid = lax.axis_index("s") * NC + lax.axis_index("c")
        b0 = wid * B_PER_W

        pltpu.async_copy(x_hbm.at[:, pl.ds(b0, B_PER_W)], idx_v, isem)
        pltpu.make_async_copy(
            x_hbm.at[:, pl.ds(b0, B_PER_W)], idx_v, isem
        ).wait()

        def g_issue(t, b):
            f = t // DMAS_PER_F
            c = t % DMAS_PER_F
            idx_slice = idx_v.at[f, pl.ds(c * ROWS, ROWS)]
            src = table_hbm.at[pl.ds(f * 1000, 1000)]
            pltpu.async_copy(src.at[idx_slice], bufs[b], gsems[b])

        def g_wait(b):
            pltpu.make_async_copy(
                table_hbm.at[pl.ds(0, ROWS)], bufs[b], gsems[b]
            ).wait()

        def o_issue(j, b):
            f = j // DMAS_PER_F
            c = j % DMAS_PER_F
            dst = out_hbm.at[pl.ds(f * BATCH + b0 + c * ROWS, ROWS)]
            pltpu.async_copy(bufs[b], dst, osems[b])

        def o_wait(b):
            pltpu.make_async_copy(
                bufs[b], out_hbm.at[pl.ds(0, ROWS)], osems[b]
            ).wait()

        for b in range(NBUF):
            g_issue(b, b)
            if b >= LAG:
                j = b - LAG
                g_wait(j % NBUF)
                o_issue(j, j % NBUF)

        def group(g, carry):
            for b in range(NBUF):
                t = g * NBUF + b
                o_wait(b)
                g_issue(t, b)
                j = t - LAG
                bj = (b - LAG) % NBUF
                g_wait(bj)
                o_issue(j, bj)
            return carry

        lax.fori_loop(1, N_DMAS // NBUF, group, 0)

        for j in range(N_DMAS - LAG, N_DMAS):
            g_wait(j % NBUF)
            o_issue(j, j % NBUF)
        for b in range(NBUF):
            o_wait(b)

    return k


_kernel_fn = _make_kernel()


def kernel(input_x, table):
    xq = jnp.transpose(input_x).astype(jnp.int32)
    out = _kernel_fn(xq, table)
    return jnp.transpose(
        out.reshape(N_FIELDS, BATCH, EMBED_DIM), (1, 0, 2)
    )

# --- scband reference (transcript-rebuilt; emitter-appended) ---
"""Pipeline reference for scband-fmembedding-33895881900426 (READ-ONLY COPY).

The authoritative reference and input builder live on the scoring server;
editing this copy changes nothing except your own understanding.
"""

import jax, jax.numpy as jnp
import numpy as np

FIELD_DIMS = [1000] * 26
OFFSETS = np.array([0,1000,2000,3000,4000,5000,6000,7000,8000,9000,10000,11000,12000,13000,14000,15000,16000,17000,18000,19000,20000,21000,22000,23000,24000,25000], dtype=np.int64)
EMBED_DIM = 128
BATCH = 16384
N_FIELDS = 26


def setup_inputs(seed: int = 0) -> dict:
    key = jax.random.key(seed)
    k1, k2 = jax.random.split(key)
    input_x = jax.random.randint(k1, (BATCH, N_FIELDS), 0, 1000, dtype=jnp.int64)
    table = jax.random.normal(k2, (sum(FIELD_DIMS), EMBED_DIM), dtype=jnp.float32) * 0.02
    return {"input_x": input_x, "table": table}


def reference(input_x, table):
    offsets = jnp.asarray(OFFSETS, dtype=input_x.dtype)
    idx = input_x + offsets[None, :]
    output = jnp.take(table, idx, axis=0)
    return output

if __name__ == "__main__":
    import jax
    _d = setup_inputs()
    print(jax.jit(kernel)(*tuple(_d.values())))

</pallas_src>

<mosaic_0001>
#map = affine_map<(d0, d1) -> (0, 0)>
module attributes {stable_mosaic.version = 14 : i64} {
  func.func @k(%arg0: i32, %arg1: i32, %arg2: memref<26x16384xi32, #tpu.memory_space<hbm>>, %arg3: memref<26000x128xf32, #tpu.memory_space<hbm>>, %arg4: memref<425984x128xf32, #tpu.memory_space<hbm>>, %arg5: memref<26x512xi32, #tpu.memory_space<vmem>>, %arg6: memref<128x128xf32, #tpu.memory_space<vmem>>, %arg7: memref<128x128xf32, #tpu.memory_space<vmem>>, %arg8: memref<128x128xf32, #tpu.memory_space<vmem>>, %arg9: memref<128x128xf32, #tpu.memory_space<vmem>>, %arg10: memref<!tpu.dma_semaphore, #tpu.memory_space<semaphore_mem>>, %arg11: memref<!tpu.dma_semaphore, #tpu.memory_space<semaphore_mem>>, %arg12: memref<!tpu.dma_semaphore, #tpu.memory_space<semaphore_mem>>, %arg13: memref<!tpu.dma_semaphore, #tpu.memory_space<semaphore_mem>>, %arg14: memref<!tpu.dma_semaphore, #tpu.memory_space<semaphore_mem>>, %arg15: memref<!tpu.dma_semaphore, #tpu.memory_space<semaphore_mem>>, %arg16: memref<!tpu.dma_semaphore, #tpu.memory_space<semaphore_mem>>, %arg17: memref<!tpu.dma_semaphore, #tpu.memory_space<semaphore_mem>>, %arg18: memref<!tpu.dma_semaphore, #tpu.memory_space<semaphore_mem>>) attributes {dimension_semantics = [#tpu.dimension_semantics<core_parallel>, #tpu.dimension_semantics<subcore_parallel>], iteration_bounds = array<i64: 2, 16>, scalar_prefetch = 0 : i64, scratch_operands = 14 : i64, tpu.core_type = #tpu.core_type<sc_vector_subcore>, window_params = [{transform_indices = #map}, {transform_indices = #map}, {transform_indices = #map}]} {
    %mul3A = arith.constant 2 : i32
    %mul3A_0 = arith.muli %arg1, %mul3A : i32
    %add3A = arith.addi %mul3A_0, %arg0 : i32
    %mul3A_1 = arith.constant 512 : i32
    %mul3A_2 = arith.muli %add3A, %mul3A_1 : i32
    %dma_start3A = arith.constant 0 : i32
    %dma_start3A_3 = tpu.memref_slice %arg2[%dma_start3A, %mul3A_2] : memref<26x16384xi32, #tpu.memory_space<hbm>> -> memref<26x512xi32, #tpu.memory_space<hbm>>
    %dma_start3A_4 = arith.constant 0 : i32
    %dma_start3A_5 = tpu.memref_slice %arg2[%dma_start3A_4, %mul3A_2] : memref<26x16384xi32, #tpu.memory_space<hbm>> -> memref<26x512xi32, #tpu.memory_space<hbm>>
    tpu.enqueue_dma source(%dma_start3A_5 : memref<26x512xi32, #tpu.memory_space<hbm>>) target(%arg5 : memref<26x512xi32, #tpu.memory_space<vmem>>) target_semaphore(%arg18 : memref<!tpu.dma_semaphore, #tpu.memory_space<semaphore_mem>>)
    %dma_wait3A = arith.constant 0 : i32
    %dma_wait3A_6 = tpu.memref_slice %arg2[%dma_wait3A, %mul3A_2] : memref<26x16384xi32, #tpu.memory_space<hbm>> -> memref<26x512xi32, #tpu.memory_space<hbm>>
    %dma_wait3A_7 = arith.constant 0 : i32
    %dma_wait3A_8 = tpu.memref_slice %arg2[%dma_wait3A_7, %mul3A_2] : memref<26x16384xi32, #tpu.memory_space<hbm>> -> memref<26x512xi32, #tpu.memory_space<hbm>>
    tpu.wait_dma2 semaphore(%arg18 : memref<!tpu.dma_semaphore, #tpu.memory_space<semaphore_mem>>) src(%dma_wait3A_8 : memref<26x512xi32, #tpu.memory_space<hbm>>) dst(%arg5 : memref<26x512xi32, #tpu.memory_space<vmem>>)
    %dma_start3A_9 = arith.constant 0 : i32
    %dma_start3A_10 = arith.constant 0 : i32
    %dma_start3A_11 = tpu.memref_slice %arg5[%dma_start3A_9, %dma_start3A_10] : memref<26x512xi32, #tpu.memory_space<vmem>> -> memref<1x128xi32, #tpu.memory_space<vmem>>
    %dma_start3A_12 = tpu.memref_squeeze %dma_start3A_11 : memref<1x128xi32, #tpu.memory_space<vmem>> -> memref<128xi32, #tpu.memory_space<vmem>>
    %dma_start3A_13 = arith.constant 0 : i32
    %dma_start3A_14 = arith.constant 0 : i32
    %dma_start3A_15 = tpu.memref_slice %arg3[%dma_start3A_13, %dma_start3A_14] : memref<26000x128xf32, #tpu.memory_space<hbm>> -> memref<1000x128xf32, #tpu.memory_space<hbm>>
    %dma_start3A_16 = arith.constant 0 : i32
    %dma_start3A_17 = arith.constant 0 : i32
    %dma_start3A_18 = tpu.memref_slice %dma_start3A_15[%dma_start3A_16, %dma_start3A_17] : memref<1000x128xf32, #tpu.memory_space<hbm>> -> memref<1000x128xf32, #tpu.memory_space<hbm>>
    tpu.enqueue_indirect_dma source(%dma_start3A_18 : memref<1000x128xf32, #tpu.memory_space<hbm>>) target(%arg6 : memref<128x128xf32, #tpu.memory_space<vmem>>) offsets(%dma_start3A_12 : memref<128xi32, #tpu.memory_space<vmem>>) semaphore(%arg10 : memref<!tpu.dma_semaphore, #tpu.memory_space<semaphore_mem>>)
    %dma_start3A_19 = arith.constant 0 : i32
    %dma_start3A_20 = arith.constant 128 : i32
    %dma_start3A_21 = tpu.memref_slice %arg5[%dma_start3A_19, %dma_start3A_20] : memref<26x512xi32, #tpu.memory_space<vmem>> -> memref<1x128xi32, #tpu.memory_space<vmem>>
    %dma_start3A_22 = tpu.memref_squeeze %dma_start3A_21 : memref<1x128xi32, #tpu.memory_space<vmem>> -> memref<128xi32, #tpu.memory_space<vmem>>
    %dma_start3A_23 = arith.constant 0 : i32
    %dma_start3A_24 = arith.constant 0 : i32
    %dma_start3A_25 = tpu.memref_slice %arg3[%dma_start3A_23, %dma_start3A_24] : memref<26000x128xf32, #tpu.memory_space<hbm>> -> memref<1000x128xf32, #tpu.memory_space<hbm>>
    %dma_start3A_26 = arith.constant 0 : i32
    %dma_start3A_27 = arith.constant 0 : i32
    %dma_start3A_28 = tpu.memref_slice %dma_start3A_25[%dma_start3A_26, %dma_start3A_27] : memref<1000x128xf32, #tpu.memory_space<hbm>> -> memref<1000x128xf32, #tpu.memory_space<hbm>>
    tpu.enqueue_indirect_dma source(%dma_start3A_28 : memref<1000x128xf32, #tpu.memory_space<hbm>>) target(%arg7 : memref<128x128xf32, #tpu.memory_space<vmem>>) offsets(%dma_start3A_22 : memref<128xi32, #tpu.memory_space<vmem>>) semaphore(%arg11 : memref<!tpu.dma_semaphore, #tpu.memory_space<semaphore_mem>>)
    %dma_start3A_29 = arith.constant 0 : i32
    %dma_start3A_30 = arith.constant 256 : i32
    %dma_start3A_31 = tpu.memref_slice %arg5[%dma_start3A_29, %dma_start3A_30] : memref<26x512xi32, #tpu.memory_space<vmem>> -> memref<1x128xi32, #tpu.memory_space<vmem>>
    %dma_start3A_32 = tpu.memref_squeeze %dma_start3A_31 : memref<1x128xi32, #tpu.memory_space<vmem>> -> memref<128xi32, #tpu.memory_space<vmem>>
    %dma_start3A_33 = arith.constant 0 : i32
    %dma_start3A_34 = arith.constant 0 : i32
    %dma_start3A_35 = tpu.memref_slice %arg3[%dma_start3A_33, %dma_start3A_34] : memref<26000x128xf32, #tpu.memory_space<hbm>> -> memref<1000x128xf32, #tpu.memory_space<hbm>>
    %dma_start3A_36 = arith.constant 0 : i32
    %dma_start3A_37 = arith.constant 0 : i32
    %dma_start3A_38 = tpu.memref_slice %dma_start3A_35[%dma_start3A_36, %dma_start3A_37] : memref<1000x128xf32, #tpu.memory_space<hbm>> -> memref<1000x128xf32, #tpu.memory_space<hbm>>
    tpu.enqueue_indirect_dma source(%dma_start3A_38 : memref<1000x128xf32, #tpu.memory_space<hbm>>) target(%arg8 : memref<128x128xf32, #tpu.memory_space<vmem>>) offsets(%dma_start3A_32 : memref<128xi32, #tpu.memory_space<vmem>>) semaphore(%arg12 : memref<!tpu.dma_semaphore, #tpu.memory_space<semaphore_mem>>)
    %dma_wait3A_39 = arith.constant 0 : i32
    %dma_wait3A_40 = arith.constant 0 : i32
    %dma_wait3A_41 = tpu.memref_slice %arg3[%dma_wait3A_39, %dma_wait3A_40] : memref<26000x128xf32, #tpu.memory_space<hbm>> -> memref<128x128xf32, #tpu.memory_space<hbm>>
    %dma_wait3A_42 = arith.constant 0 : i32
    %dma_wait3A_43 = arith.constant 0 : i32
    %dma_wait3A_44 = tpu.memref_slice %arg3[%dma_wait3A_42, %dma_wait3A_43] : memref<26000x128xf32, #tpu.memory_space<hbm>> -> memref<128x128xf32, #tpu.memory_space<hbm>>
    tpu.wait_dma2 semaphore(%arg10 : memref<!tpu.dma_semaphore, #tpu.memory_space<semaphore_mem>>) src(%dma_wait3A_44 : memref<128x128xf32, #tpu.memory_space<hbm>>) dst(%arg6 : memref<128x128xf32, #tpu.memory_space<vmem>>)
    %add3A_45 = arith.constant 0 : i32
    %add3A_46 = arith.addi %add3A_45, %mul3A_2 : i32
    %add3A_47 = arith.constant 0 : i32
    %add3A_48 = arith.addi %add3A_46, %add3A_47 : i32
    %dma_start3A_49 = arith.constant 0 : i32
    %dma_start3A_50 = tpu.memref_slice %arg4[%add3A_48, %dma_start3A_49] : memref<425984x128xf32, #tpu.memory_space<hbm>> -> memref<128x128xf32, #tpu.memory_space<hbm>>
    %dma_start3A_51 = arith.constant 0 : i32
    %dma_start3A_52 = tpu.memref_slice %arg4[%add3A_48, %dma_start3A_51] : memref<425984x128xf32, #tpu.memory_space<hbm>> -> memref<128x128xf32, #tpu.memory_space<hbm>>
    tpu.enqueue_dma source(%arg6 : memref<128x128xf32, #tpu.memory_space<vmem>>) target(%dma_start3A_52 : memref<128x128xf32, #tpu.memory_space<hbm>>) target_semaphore(%arg14 : memref<!tpu.dma_semaphore, #tpu.memory_space<semaphore_mem>>)
    %dma_start3A_53 = arith.constant 0 : i32
    %dma_start3A_54 = arith.constant 384 : i32
    %dma_start3A_55 = tpu.memref_slice %arg5[%dma_start3A_53, %dma_start3A_54] : memref<26x512xi32, #tpu.memory_space<vmem>> -> memref<1x128xi32, #tpu.memory_space<vmem>>
    %dma_start3A_56 = tpu.memref_squeeze %dma_start3A_55 : memref<1x128xi32, #tpu.memory_space<vmem>> -> memref<128xi32, #tpu.memory_space<vmem>>
    %dma_start3A_57 = arith.constant 0 : i32
    %dma_start3A_58 = arith.constant 0 : i32
    %dma_start3A_59 = tpu.memref_slice %arg3[%dma_start3A_57, %dma_start3A_58] : memref<26000x128xf32, #tpu.memory_space<hbm>> -> memref<1000x128xf32, #tpu.memory_space<hbm>>
    %dma_start3A_60 = arith.constant 0 : i32
    %dma_start3A_61 = arith.constant 0 : i32
    %dma_start3A_62 = tpu.memref_slice %dma_start3A_59[%dma_start3A_60, %dma_start3A_61] : memref<1000x128xf32, #tpu.memory_space<hbm>> -> memref<1000x128xf32, #tpu.memory_space<hbm>>
    tpu.enqueue_indirect_dma source(%dma_start3A_62 : memref<1000x128xf32, #tpu.memory_space<hbm>>) target(%arg9 : memref<128x128xf32, #tpu.memory_space<vmem>>) offsets(%dma_start3A_56 : memref<128xi32, #tpu.memory_space<vmem>>) semaphore(%arg13 : memref<!tpu.dma_semaphore, #tpu.memory_space<semaphore_mem>>)
    %dma_wait3A_63 = arith.constant 0 : i32
    %dma_wait3A_64 = arith.constant 0 : i32
    %dma_wait3A_65 = tpu.memref_slice %arg3[%dma_wait3A_63, %dma_wait3A_64] : memref<26000x128xf32, #tpu.memory_space<hbm>> -> memref<128x128xf32, #tpu.memory_space<hbm>>
    %dma_wait3A_66 = arith.constant 0 : i32
    %dma_wait3A_67 = arith.constant 0 : i32
    %dma_wait3A_68 = tpu.memref_slice %arg3[%dma_wait3A_66, %dma_wait3A_67] : memref<26000x128xf32, #tpu.memory_space<hbm>> -> memref<128x128xf32, #tpu.memory_space<hbm>>
    tpu.wait_dma2 semaphore(%arg11 : memref<!tpu.dma_semaphore, #tpu.memory_space<semaphore_mem>>) src(%dma_wait3A_68 : memref<128x128xf32, #tpu.memory_space<hbm>>) dst(%arg7 : memref<128x128xf32, #tpu.memory_space<vmem>>)
    %add3A_69 = arith.constant 0 : i32
    %add3A_70 = arith.addi %add3A_69, %mul3A_2 : i32
    %add3A_71 = arith.constant 128 : i32
    %add3A_72 = arith.addi %add3A_70, %add3A_71 : i32
    %dma_start3A_73 = arith.constant 0 : i32
    %dma_start3A_74 = tpu.memref_slice %arg4[%add3A_72, %dma_start3A_73] : memref<425984x128xf32, #tpu.memory_space<hbm>> -> memref<128x128xf32, #tpu.memory_space<hbm>>
    %dma_start3A_75 = arith.constant 0 : i32
    %dma_start3A_76 = tpu.memref_slice %arg4[%add3A_72, %dma_start3A_75] : memref<425984x128xf32, #tpu.memory_space<hbm>> -> memref<128x128xf32, #tpu.memory_space<hbm>>
    tpu.enqueue_dma source(%arg7 : memref<128x128xf32, #tpu.memory_space<vmem>>) target(%dma_start3A_76 : memref<128x128xf32, #tpu.memory_space<hbm>>) target_semaphore(%arg15 : memref<!tpu.dma_semaphore, #tpu.memory_space<semaphore_mem>>)
    %scan3A = arith.constant 0 : i32
    %scan3A_77 = arith.constant 1 : i32
    %scan3A_78 = arith.constant 25 : i32
    %scan3A_79 = arith.addi %scan3A_77, %scan3A_78 : i32
    %scan3A_80 = arith.constant 1 : i32
    scf.for %scan3A_134 = %scan3A_77 to %scan3A_79 step %scan3A_80  : i32 {
      %mul3A_135 = arith.constant 4 : i32
      %mul3A_136 = arith.muli %scan3A_134, %mul3A_135 : i32
      %add3A_137 = arith.constant 0 : i32
      %add3A_138 = arith.addi %mul3A_136, %add3A_137 : i32
      %dma_wait3A_139 = arith.constant 0 : i32
      %dma_wait3A_140 = arith.constant 0 : i32
      %dma_wait3A_141 = tpu.memref_slice %arg4[%dma_wait3A_139, %dma_wait3A_140] : memref<425984x128xf32, #tpu.memory_space<hbm>> -> memref<128x128xf32, #tpu.memory_space<hbm>>
      %dma_wait3A_142 = arith.constant 0 : i32
      %dma_wait3A_143 = arith.constant 0 : i32
      %dma_wait3A_144 = tpu.memref_slice %arg4[%dma_wait3A_142, %dma_wait3A_143] : memref<425984x128xf32, #tpu.memory_space<hbm>> -> memref<128x128xf32, #tpu.memory_space<hbm>>
      tpu.wait_dma2 semaphore(%arg14 : memref<!tpu.dma_semaphore, #tpu.memory_space<semaphore_mem>>) src(%arg6 : memref<128x128xf32, #tpu.memory_space<vmem>>) dst(%dma_wait3A_144 : memref<128x128xf32, #tpu.memory_space<hbm>>)
      %jit3A = arith.constant 4 : i32
      %div3A = arith.divsi %add3A_138, %jit3A : i32
      %sign3A = arith.constant 0 : i32
      %sign3A_145 = arith.cmpi sgt, %add3A_138, %sign3A : i32
      %sign3A_146 = arith.extui %sign3A_145 : i1 to i32
      %sign3A_147 = arith.constant 0 : i32
      %sign3A_148 = arith.cmpi slt, %add3A_138, %sign3A_147 : i32
      %sign3A_149 = arith.extui %sign3A_148 : i1 to i32
      %sign3A_150 = arith.subi %sign3A_146, %sign3A_149 : i32
      %sign3A_151 = arith.constant 0 : i32
      %sign3A_152 = arith.cmpi sgt, %jit3A, %sign3A_151 : i32
      %sign3A_153 = arith.extui %sign3A_152 : i1 to i32
      %sign3A_154 = arith.constant 0 : i32
      %sign3A_155 = arith.cmpi slt, %jit3A, %sign3A_154 : i32
      %sign3A_156 = arith.extui %sign3A_155 : i1 to i32
      %sign3A_157 = arith.subi %sign3A_153, %sign3A_156 : i32
      %ne3A = arith.cmpi ne, %sign3A_150, %sign3A_157 : i32
      %rem3A = arith.remsi %add3A_138, %jit3A : i32
      %ne3A_158 = arith.constant 0 : i32
      %ne3A_159 = arith.cmpi ne, %rem3A, %ne3A_158 : i32
      %and3A = arith.andi %ne3A, %ne3A_159 : i1
      %sub3A = arith.constant 1 : i32
      %sub3A_160 = arith.subi %div3A, %sub3A : i32
      %select_n3A = arith.select %and3A, %sub3A_160, %div3A : i32
      %jit3A_161 = arith.constant 4 : i32
      %eq3A = arith.constant 0 : i32
      %eq3A_162 = arith.cmpi eq, %jit3A_161, %eq3A : i32
      %jit3A_163 = arith.constant 1 : i32
      %select_n3A_164 = arith.select %eq3A_162, %jit3A_163, %jit3A_161 : i32
      %rem3A_165 = arith.remsi %add3A_138, %select_n3A_164 : i32
      %ne3A_166 = arith.constant 0 : i32
      %ne3A_167 = arith.cmpi ne, %rem3A_165, %ne3A_166 : i32
      %lt3A = arith.constant 0 : i32
      %lt3A_168 = arith.cmpi slt, %rem3A_165, %lt3A : i32
      %lt3A_169 = arith.constant 0 : i32
      %lt3A_170 = arith.cmpi slt, %select_n3A_164, %lt3A_169 : i32
      %ne3A_171 = arith.xori %lt3A_168, %lt3A_170 : i1
      %and3A_172 = arith.andi %ne3A_171, %ne3A_167 : i1
      %add3A_173 = arith.addi %rem3A_165, %select_n3A_164 : i32
      %select_n3A_174 = arith.select %and3A_172, %add3A_173, %rem3A_165 : i32
      %mul3A_175 = arith.constant 128 : i32
      %mul3A_176 = arith.muli %select_n3A_174, %mul3A_175 : i32
      %mul3A_177 = arith.constant 1000 : i32
      %mul3A_178 = arith.muli %select_n3A, %mul3A_177 : i32
      %dma_start3A_179 = tpu.memref_slice %arg5[%select_n3A, %mul3A_176] : memref<26x512xi32, #tpu.memory_space<vmem>> -> memref<1x128xi32, #tpu.memory_space<vmem>>
      %dma_start3A_180 = tpu.memref_squeeze %dma_start3A_179 : memref<1x128xi32, #tpu.memory_space<vmem>> -> memref<128xi32, #tpu.memory_space<vmem>>
      %dma_start3A_181 = arith.constant 0 : i32
      %dma_start3A_182 = tpu.memref_slice %arg3[%mul3A_178, %dma_start3A_181] : memref<26000x128xf32, #tpu.memory_space<hbm>> -> memref<1000x128xf32, #tpu.memory_space<hbm>>
      %dma_start3A_183 = arith.constant 0 : i32
      %dma_start3A_184 = arith.constant 0 : i32
      %dma_start3A_185 = tpu.memref_slice %dma_start3A_182[%dma_start3A_183, %dma_start3A_184] : memref<1000x128xf32, #tpu.memory_space<hbm>> -> memref<1000x128xf32, #tpu.memory_space<hbm>>
      tpu.enqueue_indirect_dma source(%dma_start3A_185 : memref<1000x128xf32, #tpu.memory_space<hbm>>) target(%arg6 : memref<128x128xf32, #tpu.memory_space<vmem>>) offsets(%dma_start3A_180 : memref<128xi32, #tpu.memory_space<vmem>>) semaphore(%arg10 : memref<!tpu.dma_semaphore, #tpu.memory_space<semaphore_mem>>)
      %sub3A_186 = arith.constant 2 : i32
      %sub3A_187 = arith.subi %add3A_138, %sub3A_186 : i32
      %dma_wait3A_188 = arith.constant 0 : i32
      %dma_wait3A_189 = arith.constant 0 : i32
      %dma_wait3A_190 = tpu.memref_slice %arg3[%dma_wait3A_188, %dma_wait3A_189] : memref<26000x128xf32, #tpu.memory_space<hbm>> -> memref<128x128xf32, #tpu.memory_space<hbm>>
      %dma_wait3A_191 = arith.constant 0 : i32
      %dma_wait3A_192 = arith.constant 0 : i32
      %dma_wait3A_193 = tpu.memref_slice %arg3[%dma_wait3A_191, %dma_wait3A_192] : memref<26000x128xf32, #tpu.memory_space<hbm>> -> memref<128x128xf32, #tpu.memory_space<hbm>>
      tpu.wait_dma2 semaphore(%arg12 : memref<!tpu.dma_semaphore, #tpu.memory_space<semaphore_mem>>) src(%dma_wait3A_193 : memref<128x128xf32, #tpu.memory_space<hbm>>) dst(%arg8 : memref<128x128xf32, #tpu.memory_space<vmem>>)
      %jit3A_194 = arith.constant 4 : i32
      %div3A_195 = arith.divsi %sub3A_187, %jit3A_194 : i32
      %sign3A_196 = arith.constant 0 : i32
      %sign3A_197 = arith.cmpi sgt, %sub3A_187, %sign3A_196 : i32
      %sign3A_198 = arith.extui %sign3A_197 : i1 to i32
      %sign3A_199 = arith.constant 0 : i32
      %sign3A_200 = arith.cmpi slt, %sub3A_187, %sign3A_199 : i32
      %sign3A_201 = arith.extui %sign3A_200 : i1 to i32
      %sign3A_202 = arith.subi %sign3A_198, %sign3A_201 : i32
      %sign3A_203 = arith.constant 0 : i32
      %sign3A_204 = arith.cmpi sgt, %jit3A_194, %sign3A_203 : i32
      %sign3A_205 = arith.extui %sign3A_204 : i1 to i32
      %sign3A_206 = arith.constant 0 : i32
      %sign3A_207 = arith.cmpi slt, %jit3A_194, %sign3A_206 : i32
      %sign3A_208 = arith.extui %sign3A_207 : i1 to i32
      %sign3A_209 = arith.subi %sign3A_205, %sign3A_208 : i32
      %ne3A_210 = arith.cmpi ne, %sign3A_202, %sign3A_209 : i32
      %rem3A_211 = arith.remsi %sub3A_187, %jit3A_194 : i32
      %ne3A_212 = arith.constant 0 : i32
      %ne3A_213 = arith.cmpi ne, %rem3A_211, %ne3A_212 : i32
      %and3A_214 = arith.andi %ne3A_210, %ne3A_213 : i1
      %sub3A_215 = arith.constant 1 : i32
      %sub3A_216 = arith.subi %div3A_195, %sub3A_215 : i32
      %select_n3A_217 = arith.select %and3A_214, %sub3A_216, %div3A_195 : i32
      %jit3A_218 = arith.constant 4 : i32
      %eq3A_219 = arith.constant 0 : i32
      %eq3A_220 = arith.cmpi eq, %jit3A_218, %eq3A_219 : i32
      %jit3A_221 = arith.constant 1 : i32
      %select_n3A_222 = arith.select %eq3A_220, %jit3A_221, %jit3A_218 : i32
      %rem3A_223 = arith.remsi %sub3A_187, %select_n3A_222 : i32
      %ne3A_224 = arith.constant 0 : i32
      %ne3A_225 = arith.cmpi ne, %rem3A_223, %ne3A_224 : i32
      %lt3A_226 = arith.constant 0 : i32
      %lt3A_227 = arith.cmpi slt, %rem3A_223, %lt3A_226 : i32
      %lt3A_228 = arith.constant 0 : i32
      %lt3A_229 = arith.cmpi slt, %select_n3A_222, %lt3A_228 : i32
      %ne3A_230 = arith.xori %lt3A_227, %lt3A_229 : i1
      %and3A_231 = arith.andi %ne3A_230, %ne3A_225 : i1
      %add3A_232 = arith.addi %rem3A_223, %select_n3A_222 : i32
      %select_n3A_233 = arith.select %and3A_231, %add3A_232, %rem3A_223 : i32
      %mul3A_234 = arith.constant 16384 : i32
      %mul3A_235 = arith.muli %select_n3A_217, %mul3A_234 : i32
      %add3A_236 = arith.addi %mul3A_235, %mul3A_2 : i32
      %mul3A_237 = arith.constant 128 : i32
      %mul3A_238 = arith.muli %select_n3A_233, %mul3A_237 : i32
      %add3A_239 = arith.addi %add3A_236, %mul3A_238 : i32
      %dma_start3A_240 = arith.constant 0 : i32
      %dma_start3A_241 = tpu.memref_slice %arg4[%add3A_239, %dma_start3A_240] : memref<425984x128xf32, #tpu.memory_space<hbm>> -> memref<128x128xf32, #tpu.memory_space<hbm>>
      %dma_start3A_242 = arith.constant 0 : i32
      %dma_start3A_243 = tpu.memref_slice %arg4[%add3A_239, %dma_start3A_242] : memref<425984x128xf32, #tpu.memory_space<hbm>> -> memref<128x128xf32, #tpu.memory_space<hbm>>
      tpu.enqueue_dma source(%arg8 : memref<128x128xf32, #tpu.memory_space<vmem>>) target(%dma_start3A_243 : memref<128x128xf32, #tpu.memory_space<hbm>>) target_semaphore(%arg16 : memref<!tpu.dma_semaphore, #tpu.memory_space<semaphore_mem>>)
      %mul3A_244 = arith.constant 4 : i32
      %mul3A_245 = arith.muli %scan3A_134, %mul3A_244 : i32
      %add3A_246 = arith.constant 1 : i32
      %add3A_247 = arith.addi %mul3A_245, %add3A_246 : i32
      %dma_wait3A_248 = arith.constant 0 : i32
      %dma_wait3A_249 = arith.constant 0 : i32
      %dma_wait3A_250 = tpu.memref_slice %arg4[%dma_wait3A_248, %dma_wait3A_249] : memref<425984x128xf32, #tpu.memory_space<hbm>> -> memref<128x128xf32, #tpu.memory_space<hbm>>
      %dma_wait3A_251 = arith.constant 0 : i32
      %dma_wait3A_252 = arith.constant 0 : i32
      %dma_wait3A_253 = tpu.memref_slice %arg4[%dma_wait3A_251, %dma_wait3A_252] : memref<425984x128xf32, #tpu.memory_space<hbm>> -> memref<128x128xf32, #tpu.memory_space<hbm>>
      tpu.wait_dma2 semaphore(%arg15 : memref<!tpu.dma_semaphore, #tpu.memory_space<semaphore_mem>>) src(%arg7 : memref<128x128xf32, #tpu.memory_space<vmem>>) dst(%dma_wait3A_253 : memref<128x128xf32, #tpu.memory_space<hbm>>)
      %jit3A_254 = arith.constant 4 : i32
      %div3A_255 = arith.divsi %add3A_247, %jit3A_254 : i32
      %sign3A_256 = arith.constant 0 : i32
      %sign3A_257 = arith.cmpi sgt, %add3A_247, %sign3A_256 : i32
      %sign3A_258 = arith.extui %sign3A_257 : i1 to i32
      %sign3A_259 = arith.constant 0 : i32
      %sign3A_260 = arith.cmpi slt, %add3A_247, %sign3A_259 : i32
      %sign3A_261 = arith.extui %sign3A_260 : i1 to i32
      %sign3A_262 = arith.subi %sign3A_258, %sign3A_261 : i32
      %sign3A_263 = arith.constant 0 : i32
      %sign3A_264 = arith.cmpi sgt, %jit3A_254, %sign3A_263 : i32
      %sign3A_265 = arith.extui %sign3A_264 : i1 to i32
      %sign3A_266 = arith.constant 0 : i32
      %sign3A_267 = arith.cmpi slt, %jit3A_254, %sign3A_266 : i32
      %sign3A_268 = arith.extui %sign3A_267 : i1 to i32
      %sign3A_269 = arith.subi %sign3A_265, %sign3A_268 : i32
      %ne3A_270 = arith.cmpi ne, %sign3A_262, %sign3A_269 : i32
      %rem3A_271 = arith.remsi %add3A_247, %jit3A_254 : i32
      %ne3A_272 = arith.constant 0 : i32
      %ne3A_273 = arith.cmpi ne, %rem3A_271, %ne3A_272 : i32
      %and3A_274 = arith.andi %ne3A_270, %ne3A_273 : i1
      %sub3A_275 = arith.constant 1 : i32
      %sub3A_276 = arith.subi %div3A_255, %sub3A_275 : i32
      %select_n3A_277 = arith.select %and3A_274, %sub3A_276, %div3A_255 : i32
      %jit3A_278 = arith.constant 4 : i32
      %eq3A_279 = arith.constant 0 : i32
      %eq3A_280 = arith.cmpi eq, %jit3A_278, %eq3A_279 : i32
      %jit3A_281 = arith.constant 1 : i32
      %select_n3A_282 = arith.select %eq3A_280, %jit3A_281, %jit3A_278 : i32
      %rem3A_283 = arith.remsi %add3A_247, %select_n3A_282 : i32
      %ne3A_284 = arith.constant 0 : i32
      %ne3A_285 = arith.cmpi ne, %rem3A_283, %ne3A_284 : i32
      %lt3A_286 = arith.constant 0 : i32
      %lt3A_287 = arith.cmpi slt, %rem3A_283, %lt3A_286 : i32
      %lt3A_288 = arith.constant 0 : i32
      %lt3A_289 = arith.cmpi slt, %select_n3A_282, %lt3A_288 : i32
      %ne3A_290 = arith.xori %lt3A_287, %lt3A_289 : i1
      %and3A_291 = arith.andi %ne3A_290, %ne3A_285 : i1
      %add3A_292 = arith.addi %rem3A_283, %select_n3A_282 : i32
      %select_n3A_293 = arith.select %and3A_291, %add3A_292, %rem3A_283 : i32
      %mul3A_294 = arith.constant 128 : i32
      %mul3A_295 = arith.muli %select_n3A_293, %mul3A_294 : i32
      %mul3A_296 = arith.constant 1000 : i32
      %mul3A_297 = arith.muli %select_n3A_277, %mul3A_296 : i32
      %dma_start3A_298 = tpu.memref_slice %arg5[%select_n3A_277, %mul3A_295] : memref<26x512xi32, #tpu.memory_space<vmem>> -> memref<1x128xi32, #tpu.memory_space<vmem>>
      %dma_start3A_299 = tpu.memref_squeeze %dma_start3A_298 : memref<1x128xi32, #tpu.memory_space<vmem>> -> memref<128xi32, #tpu.memory_space<vmem>>
      %dma_start3A_300 = arith.constant 0 : i32
      %dma_start3A_301 = tpu.memref_slice %arg3[%mul3A_297, %dma_start3A_300] : memref<26000x128xf32, #tpu.memory_space<hbm>> -> memref<1000x128xf32, #tpu.memory_space<hbm>>
      %dma_start3A_302 = arith.constant 0 : i32
      %dma_start3A_303 = arith.constant 0 : i32
      %dma_start3A_304 = tpu.memref_slice %dma_start3A_301[%dma_start3A_302, %dma_start3A_303] : memref<1000x128xf32, #tpu.memory_space<hbm>> -> memref<1000x128xf32, #tpu.memory_space<hbm>>
      tpu.enqueue_indirect_dma source(%dma_start3A_304 : memref<1000x128xf32, #tpu.memory_space<hbm>>) target(%arg7 : memref<128x128xf32, #tpu.memory_space<vmem>>) offsets(%dma_start3A_299 : memref<128xi32, #tpu.memory_space<vmem>>) semaphore(%arg11 : memref<!tpu.dma_semaphore, #tpu.memory_space<semaphore_mem>>)
      %sub3A_305 = arith.constant 2 : i32
      %sub3A_306 = arith.subi %add3A_247, %sub3A_305 : i32
      %dma_wait3A_307 = arith.constant 0 : i32
      %dma_wait3A_308 = arith.constant 0 : i32
      %dma_wait3A_309 = tpu.memref_slice %arg3[%dma_wait3A_307, %dma_wait3A_308] : memref<26000x128xf32, #tpu.memory_space<hbm>> -> memref<128x128xf32, #tpu.memory_space<hbm>>
      %dma_wait3A_310 = arith.constant 0 : i32
      %dma_wait3A_311 = arith.constant 0 : i32
      %dma_wait3A_312 = tpu.memref_slice %arg3[%dma_wait3A_310, %dma_wait3A_311] : memref<26000x128xf32, #tpu.memory_space<hbm>> -> memref<128x128xf32, #tpu.memory_space<hbm>>
      tpu.wait_dma2 semaphore(%arg13 : memref<!tpu.dma_semaphore, #tpu.memory_space<semaphore_mem>>) src(%dma_wait3A_312 : memref<128x128xf32, #tpu.memory_space<hbm>>) dst(%arg9 : memref<128x128xf32, #tpu.memory_space<vmem>>)
      %jit3A_313 = arith.constant 4 : i32
      %div3A_314 = arith.divsi %sub3A_306, %jit3A_313 : i32
      %sign3A_315 = arith.constant 0 : i32
      %sign3A_316 = arith.cmpi sgt, %sub3A_306, %sign3A_315 : i32
      %sign3A_317 = arith.extui %sign3A_316 : i1 to i32
      %sign3A_318 = arith.constant 0 : i32
      %sign3A_319 = arith.cmpi slt, %sub3A_306, %sign3A_318 : i32
      %sign3A_320 = arith.extui %sign3A_319 : i1 to i32
      %sign3A_321 = arith.subi %sign3A_317, %sign3A_320 : i32
      %sign3A_322 = arith.constant 0 : i32
      %sign3A_323 = arith.cmpi sgt, %jit3A_313, %sign3A_322 : i32
      %sign3A_324 = arith.extui %sign3A_323 : i1 to i32
      %sign3A_325 = arith.constant 0 : i32
      %sign3A_326 = arith.cmpi slt, %jit3A_313, %sign3A_325 : i32
      %sign3A_327 = arith.extui %sign3A_326 : i1 to i32
      %sign3A_328 = arith.subi %sign3A_324, %sign3A_327 : i32
      %ne3A_329 = arith.cmpi ne, %sign3A_321, %sign3A_328 : i32
      %rem3A_330 = arith.remsi %sub3A_306, %jit3A_313 : i32
      %ne3A_331 = arith.constant 0 : i32
      %ne3A_332 = arith.cmpi ne, %rem3A_330, %ne3A_331 : i32
      %and3A_333 = arith.andi %ne3A_329, %ne3A_332 : i1
      %sub3A_334 = arith.constant 1 : i32
      %sub3A_335 = arith.subi %div3A_314, %sub3A_334 : i32
      %select_n3A_336 = arith.select %and3A_333, %sub3A_335, %div3A_314 : i32
      %jit3A_337 = arith.constant 4 : i32
      %eq3A_338 = arith.constant 0 : i32
      %eq3A_339 = arith.cmpi eq, %jit3A_337, %eq3A_338 : i32
      %jit3A_340 = arith.constant 1 : i32
      %select_n3A_341 = arith.select %eq3A_339, %jit3A_340, %jit3A_337 : i32
      %rem3A_342 = arith.remsi %sub3A_306, %select_n3A_341 : i32
      %ne3A_343 = arith.constant 0 : i32
      %ne3A_344 = arith.cmpi ne, %rem3A_342, %ne3A_343 : i32
      %lt3A_345 = arith.constant 0 : i32
      %lt3A_346 = arith.cmpi slt, %rem3A_342, %lt3A_345 : i32
      %lt3A_347 = arith.constant 0 : i32
      %lt3A_348 = arith.cmpi slt, %select_n3A_341, %lt3A_347 : i32
      %ne3A_349 = arith.xori %lt3A_346, %lt3A_348 : i1
      %and3A_350 = arith.andi %ne3A_349, %ne3A_344 : i1
      %add3A_351 = arith.addi %rem3A_342, %select_n3A_341 : i32
      %select_n3A_352 = arith.select %and3A_350, %add3A_351, %rem3A_342 : i32
      %mul3A_353 = arith.constant 16384 : i32
      %mul3A_354 = arith.muli %select_n3A_336, %mul3A_353 : i32
      %add3A_355 = arith.addi %mul3A_354, %mul3A_2 : i32
      %mul3A_356 = arith.constant 128 : i32
      %mul3A_357 = arith.muli %select_n3A_352, %mul3A_356 : i32
      %add3A_358 = arith.addi %add3A_355, %mul3A_357 : i32
      %dma_start3A_359 = arith.constant 0 : i32
      %dma_start3A_360 = tpu.memref_slice %arg4[%add3A_358, %dma_start3A_359] : memref<425984x128xf32, #tpu.memory_space<hbm>> -> memref<128x128xf32, #tpu.memory_space<hbm>>
      %dma_start3A_361 = arith.constant 0 : i32
      %dma_start3A_362 = tpu.memref_slice %arg4[%add3A_358, %dma_start3A_361] : memref<425984x128xf32, #tpu.memory_space<hbm>> -> memref<128x128xf32, #tpu.memory_space<hbm>>
      tpu.enqueue_dma source(%arg9 : memref<128x128xf32, #tpu.memory_space<vmem>>) target(%dma_start3A_362 : memref<128x128xf32, #tpu.memory_space<hbm>>) target_semaphore(%arg17 : memref<!tpu.dma_semaphore, #tpu.memory_space<semaphore_mem>>)
      %mul3A_363 = arith.constant 4 : i32
      %mul3A_364 = arith.muli %scan3A_134, %mul3A_363 : i32
      %add3A_365 = arith.constant 2 : i32
      %add3A_366 = arith.addi %mul3A_364, %add3A_365 : i32
      %dma_wait3A_367 = arith.constant 0 : i32
      %dma_wait3A_368 = arith.constant 0 : i32
      %dma_wait3A_369 = tpu.memref_slice %arg4[%dma_wait3A_367, %dma_wait3A_368] : memref<425984x128xf32, #tpu.memory_space<hbm>> -> memref<128x128xf32, #tpu.memory_space<hbm>>
      %dma_wait3A_370 = arith.constant 0 : i32
      %dma_wait3A_371 = arith.constant 0 : i32
      %dma_wait3A_372 = tpu.memref_slice %arg4[%dma_wait3A_370, %dma_wait3A_371] : memref<425984x128xf32, #tpu.memory_space<hbm>> -> memref<128x128xf32, #tpu.memory_space<hbm>>
      tpu.wait_dma2 semaphore(%arg16 : memref<!tpu.dma_semaphore, #tpu.memory_space<semaphore_mem>>) src(%arg8 : memref<128x128xf32, #tpu.memory_space<vmem>>) dst(%dma_wait3A_372 : memref<128x128xf32, #tpu.memory_space<hbm>>)
      %jit3A_373 = arith.constant 4 : i32
      %div3A_374 = arith.divsi %add3A_366, %jit3A_373 : i32
      %sign3A_375 = arith.constant 0 : i32
      %sign3A_376 = arith.cmpi sgt, %add3A_366, %sign3A_375 : i32
      %sign3A_377 = arith.extui %sign3A_376 : i1 to i32
      %sign3A_378 = arith.constant 0 : i32
      %sign3A_379 = arith.cmpi slt, %add3A_366, %sign3A_378 : i32
      %sign3A_380 = arith.extui %sign3A_379 : i1 to i32
      %sign3A_381 = arith.subi %sign3A_377, %sign3A_380 : i32
      %sign3A_382 = arith.constant 0 : i32
      %sign3A_383 = arith.cmpi sgt, %jit3A_373, %sign3A_382 : i32
      %sign3A_384 = arith.extui %sign3A_383 : i1 to i32
      %sign3A_385 = arith.constant 0 : i32
      %sign3A_386 = arith.cmpi slt, %jit3A_373, %sign3A_385 : i32
      %sign3A_387 = arith.extui %sign3A_386 : i1 to i32
      %sign3A_388 = arith.subi %sign3A_384, %sign3A_387 : i32
      %ne3A_389 = arith.cmpi ne, %sign3A_381, %sign3A_388 : i32
      %rem3A_390 = arith.remsi %add3A_366, %jit3A_373 : i32
      %ne3A_391 = arith.constant 0 : i32
      %ne3A_392 = arith.cmpi ne, %rem3A_390, %ne3A_391 : i32
      %and3A_393 = arith.andi %ne3A_389, %ne3A_392 : i1
      %sub3A_394 = arith.constant 1 : i32
      %sub3A_395 = arith.subi %div3A_374, %sub3A_394 : i32
      %select_n3A_396 = arith.select %and3A_393, %sub3A_395, %div3A_374 : i32
      %jit3A_397 = arith.constant 4 : i32
      %eq3A_398 = arith.constant 0 : i32
      %eq3A_399 = arith.cmpi eq, %jit3A_397, %eq3A_398 : i32
      %jit3A_400 = arith.constant 1 : i32
      %select_n3A_401 = arith.select %eq3A_399, %jit3A_400, %jit3A_397 : i32
      %rem3A_402 = arith.remsi %add3A_366, %select_n3A_401 : i32
      %ne3A_403 = arith.constant 0 : i32
      %ne3A_404 = arith.cmpi ne, %rem3A_402, %ne3A_403 : i32
      %lt3A_405 = arith.constant 0 : i32
      %lt3A_406 = arith.cmpi slt, %rem3A_402, %lt3A_405 : i32
      %lt3A_407 = arith.constant 0 : i32
      %lt3A_408 = arith.cmpi slt, %select_n3A_401, %lt3A_407 : i32
      %ne3A_409 = arith.xori %lt3A_406, %lt3A_408 : i1
      %and3A_410 = arith.andi %ne3A_409, %ne3A_404 : i1
      %add3A_411 = arith.addi %rem3A_402, %select_n3A_401 : i32
      %select_n3A_412 = arith.select %and3A_410, %add3A_411, %rem3A_402 : i32
      %mul3A_413 = arith.constant 128 : i32
      %mul3A_414 = arith.muli %select_n3A_412, %mul3A_413 : i32
      %mul3A_415 = arith.constant 1000 : i32
      %mul3A_416 = arith.muli %select_n3A_396, %mul3A_415 : i32
      %dma_start3A_417 = tpu.memref_slice %arg5[%select_n3A_396, %mul3A_414] : memref<26x512xi32, #tpu.memory_space<vmem>> -> memref<1x128xi32, #tpu.memory_space<vmem>>
      %dma_start3A_418 = tpu.memref_squeeze %dma_start3A_417 : memref<1x128xi32, #tpu.memory_space<vmem>> -> memref<128xi32, #tpu.memory_space<vmem>>
      %dma_start3A_419 = arith.constant 0 : i32
      %dma_start3A_420 = tpu.memref_slice %arg3[%mul3A_416, %dma_start3A_419] : memref<26000x128xf32, #tpu.memory_space<hbm>> -> memref<1000x128xf32, #tpu.memory_space<hbm>>
      %dma_start3A_421 = arith.constant 0 : i32
      %dma_start3A_422 = arith.constant 0 : i32
      %dma_start3A_423 = tpu.memref_slice %dma_start3A_420[%dma_start3A_421, %dma_start3A_422] : memref<1000x128xf32, #tpu.memory_space<hbm>> -> memref<1000x128xf32, #tpu.memory_space<hbm>>
      tpu.enqueue_indirect_dma source(%dma_start3A_423 : memref<1000x128xf32, #tpu.memory_space<hbm>>) target(%arg8 : memref<128x128xf32, #tpu.memory_space<vmem>>) offsets(%dma_start3A_418 : memref<128xi32, #tpu.memory_space<vmem>>) semaphore(%arg12 : memref<!tpu.dma_semaphore, #tpu.memory_space<semaphore_mem>>)
      %sub3A_424 = arith.constant 2 : i32
      %sub3A_425 = arith.subi %add3A_366, %sub3A_424 : i32
      %dma_wait3A_426 = arith.constant 0 : i32
      %dma_wait3A_427 = arith.constant 0 : i32
      %dma_wait3A_428 = tpu.memref_slice %arg3[%dma_wait3A_426, %dma_wait3A_427] : memref<26000x128xf32, #tpu.memory_space<hbm>> -> memref<128x128xf32, #tpu.memory_space<hbm>>
      %dma_wait3A_429 = arith.constant 0 : i32
      %dma_wait3A_430 = arith.constant 0 : i32
      %dma_wait3A_431 = tpu.memref_slice %arg3[%dma_wait3A_429, %dma_wait3A_430] : memref<26000x128xf32, #tpu.memory_space<hbm>> -> memref<128x128xf32, #tpu.memory_space<hbm>>
      tpu.wait_dma2 semaphore(%arg10 : memref<!tpu.dma_semaphore, #tpu.memory_space<semaphore_mem>>) src(%dma_wait3A_431 : memref<128x128xf32, #tpu.memory_space<hbm>>) dst(%arg6 : memref<128x128xf32, #tpu.memory_space<vmem>>)
      %jit3A_432 = arith.constant 4 : i32
      %div3A_433 = arith.divsi %sub3A_425, %jit3A_432 : i32
      %sign3A_434 = arith.constant 0 : i32
      %sign3A_435 = arith.cmpi sgt, %sub3A_425, %sign3A_434 : i32
      %sign3A_436 = arith.extui %sign3A_435 : i1 to i32
      %sign3A_437 = arith.constant 0 : i32
      %sign3A_438 = arith.cmpi slt, %sub3A_425, %sign3A_437 : i32
      %sign3A_439 = arith.extui %sign3A_438 : i1 to i32
      %sign3A_440 = arith.subi %sign3A_436, %sign3A_439 : i32
      %sign3A_441 = arith.constant 0 : i32
      %sign3A_442 = arith.cmpi sgt, %jit3A_432, %sign3A_441 : i32
      %sign3A_443 = arith.extui %sign3A_442 : i1 to i32
      %sign3A_444 = arith.constant 0 : i32
      %sign3A_445 = arith.cmpi slt, %jit3A_432, %sign3A_444 : i32
      %sign3A_446 = arith.extui %sign3A_445 : i1 to i32
      %sign3A_447 = arith.subi %sign3A_443, %sign3A_446 : i32
      %ne3A_448 = arith.cmpi ne, %sign3A_440, %sign3A_447 : i32
      %rem3A_449 = arith.remsi %sub3A_425, %jit3A_432 : i32
      %ne3A_450 = arith.constant 0 : i32
      %ne3A_451 = arith.cmpi ne, %rem3A_449, %ne3A_450 : i32
      %and3A_452 = arith.andi %ne3A_448, %ne3A_451 : i1
      %sub3A_453 = arith.constant 1 : i32
      %sub3A_454 = arith.subi %div3A_433, %sub3A_453 : i32
      %select_n3A_455 = arith.select %and3A_452, %sub3A_454, %div3A_433 : i32
      %jit3A_456 = arith.constant 4 : i32
      %eq3A_457 = arith.constant 0 : i32
      %eq3A_458 = arith.cmpi eq, %jit3A_456, %eq3A_457 : i32
      %jit3A_459 = arith.constant 1 : i32
      %select_n3A_460 = arith.select %eq3A_458, %jit3A_459, %jit3A_456 : i32
      %rem3A_461 = arith.remsi %sub3A_425, %select_n3A_460 : i32
      %ne3A_462 = arith.constant 0 : i32
      %ne3A_463 = arith.cmpi ne, %rem3A_461, %ne3A_462 : i32
      %lt3A_464 = arith.constant 0 : i32
      %lt3A_465 = arith.cmpi slt, %rem3A_461, %lt3A_464 : i32
      %lt3A_466 = arith.constant 0 : i32
      %lt3A_467 = arith.cmpi slt, %select_n3A_460, %lt3A_466 : i32
      %ne3A_468 = arith.xori %lt3A_465, %lt3A_467 : i1
      %and3A_469 = arith.andi %ne3A_468, %ne3A_463 : i1
      %add3A_470 = arith.addi %rem3A_461, %select_n3A_460 : i32
      %select_n3A_471 = arith.select %and3A_469, %add3A_470, %rem3A_461 : i32
      %mul3A_472 = arith.constant 16384 : i32
      %mul3A_473 = arith.muli %select_n3A_455, %mul3A_472 : i32
      %add3A_474 = arith.addi %mul3A_473, %mul3A_2 : i32
      %mul3A_475 = arith.constant 128 : i32
      %mul3A_476 = arith.muli %select_n3A_471, %mul3A_475 : i32
      %add3A_477 = arith.addi %add3A_474, %mul3A_476 : i32
      %dma_start3A_478 = arith.constant 0 : i32
      %dma_start3A_479 = tpu.memref_slice %arg4[%add3A_477, %dma_start3A_478] : memref<425984x128xf32, #tpu.memory_space<hbm>> -> memref<128x128xf32, #tpu.memory_space<hbm>>
      %dma_start3A_480 = arith.constant 0 : i32
      %dma_start3A_481 = tpu.memref_slice %arg4[%add3A_477, %dma_start3A_480] : memref<425984x128xf32, #tpu.memory_space<hbm>> -> memref<128x128xf32, #tpu.memory_space<hbm>>
      tpu.enqueue_dma source(%arg6 : memref<128x128xf32, #tpu.memory_space<vmem>>) target(%dma_start3A_481 : memref<128x128xf32, #tpu.memory_space<hbm>>) target_semaphore(%arg14 : memref<!tpu.dma_semaphore, #tpu.memory_space<semaphore_mem>>)
      %mul3A_482 = arith.constant 4 : i32
      %mul3A_483 = arith.muli %scan3A_134, %mul3A_482 : i32
      %add3A_484 = arith.constant 3 : i32
      %add3A_485 = arith.addi %mul3A_483, %add3A_484 : i32
      %dma_wait3A_486 = arith.constant 0 : i32
      %dma_wait3A_487 = arith.constant 0 : i32
      %dma_wait3A_488 = tpu.memref_slice %arg4[%dma_wait3A_486, %dma_wait3A_487] : memref<425984x128xf32, #tpu.memory_space<hbm>> -> memref<128x128xf32, #tpu.memory_space<hbm>>
      %dma_wait3A_489 = arith.constant 0 : i32
      %dma_wait3A_490 = arith.constant 0 : i32
      %dma_wait3A_491 = tpu.memref_slice %arg4[%dma_wait3A_489, %dma_wait3A_490] : memref<425984x128xf32, #tpu.memory_space<hbm>> -> memref<128x128xf32, #tpu.memory_space<hbm>>
      tpu.wait_dma2 semaphore(%arg17 : memref<!tpu.dma_semaphore, #tpu.memory_space<semaphore_mem>>) src(%arg9 : memref<128x128xf32, #tpu.memory_space<vmem>>) dst(%dma_wait3A_491 : memref<128x128xf32, #tpu.memory_space<hbm>>)
      %jit3A_492 = arith.constant 4 : i32
      %div3A_493 = arith.divsi %add3A_485, %jit3A_492 : i32
      %sign3A_494 = arith.constant 0 : i32
      %sign3A_495 = arith.cmpi sgt, %add3A_485, %sign3A_494 : i32
      %sign3A_496 = arith.extui %sign3A_495 : i1 to i32
      %sign3A_497 = arith.constant 0 : i32
      %sign3A_498 = arith.cmpi slt, %add3A_485, %sign3A_497 : i32
      %sign3A_499 = arith.extui %sign3A_498 : i1 to i32
      %sign3A_500 = arith.subi %sign3A_496, %sign3A_499 : i32
      %sign3A_501 = arith.constant 0 : i32
      %sign3A_502 = arith.cmpi sgt, %jit3A_492, %sign3A_501 : i32
      %sign3A_503 = arith.extui %sign3A_502 : i1 to i32
      %sign3A_504 = arith.constant 0 : i32
      %sign3A_505 = arith.cmpi slt, %jit3A_492, %sign3A_504 : i32
      %sign3A_506 = arith.extui %sign3A_505 : i1 to i32
      %sign3A_507 = arith.subi %sign3A_503, %sign3A_506 : i32
      %ne3A_508 = arith.cmpi ne, %sign3A_500, %sign3A_507 : i32
      %rem3A_509 = arith.remsi %add3A_485, %jit3A_492 : i32
      %ne3A_510 = arith.constant 0 : i32
      %ne3A_511 = arith.cmpi ne, %rem3A_509, %ne3A_510 : i32
      %and3A_512 = arith.andi %ne3A_508, %ne3A_511 : i1
      %sub3A_513 = arith.constant 1 : i32
      %sub3A_514 = arith.subi %div3A_493, %sub3A_513 : i32
      %select_n3A_515 = arith.select %and3A_512, %sub3A_514, %div3A_493 : i32
      %jit3A_516 = arith.constant 4 : i32
      %eq3A_517 = arith.constant 0 : i32
      %eq3A_518 = arith.cmpi eq, %jit3A_516, %eq3A_517 : i32
      %jit3A_519 = arith.constant 1 : i32
      %select_n3A_520 = arith.select %eq3A_518, %jit3A_519, %jit3A_516 : i32
      %rem3A_521 = arith.remsi %add3A_485, %select_n3A_520 : i32
      %ne3A_522 = arith.constant 0 : i32
      %ne3A_523 = arith.cmpi ne, %rem3A_521, %ne3A_522 : i32
      %lt3A_524 = arith.constant 0 : i32
      %lt3A_525 = arith.cmpi slt, %rem3A_521, %lt3A_524 : i32
      %lt3A_526 = arith.constant 0 : i32
      %lt3A_527 = arith.cmpi slt, %select_n3A_520, %lt3A_526 : i32
      %ne3A_528 = arith.xori %lt3A_525, %lt3A_527 : i1
      %and3A_529 = arith.andi %ne3A_528, %ne3A_523 : i1
      %add3A_530 = arith.addi %rem3A_521, %select_n3A_520 : i32
      %select_n3A_531 = arith.select %and3A_529, %add3A_530, %rem3A_521 : i32
      %mul3A_532 = arith.constant 128 : i32
      %mul3A_533 = arith.muli %select_n3A_531, %mul3A_532 : i32
      %mul3A_534 = arith.constant 1000 : i32
      %mul3A_535 = arith.muli %select_n3A_515, %mul3A_534 : i32
      %dma_start3A_536 = tpu.memref_slice %arg5[%select_n3A_515, %mul3A_533] : memref<26x512xi32, #tpu.memory_space<vmem>> -> memref<1x128xi32, #tpu.memory_space<vmem>>
      %dma_start3A_537 = tpu.memref_squeeze %dma_start3A_536 : memref<1x128xi32, #tpu.memory_space<vmem>> -> memref<128xi32, #tpu.memory_space<vmem>>
      %dma_start3A_538 = arith.constant 0 : i32
      %dma_start3A_539 = tpu.memref_slice %arg3[%mul3A_535, %dma_start3A_538] : memref<26000x128xf32, #tpu.memory_space<hbm>> -> memref<1000x128xf32, #tpu.memory_space<hbm>>
      %dma_start3A_540 = arith.constant 0 : i32
      %dma_start3A_541 = arith.constant 0 : i32
      %dma_start3A_542 = tpu.memref_slice %dma_start3A_539[%dma_start3A_540, %dma_start3A_541] : memref<1000x128xf32, #tpu.memory_space<hbm>> -> memref<1000x128xf32, #tpu.memory_space<hbm>>
      tpu.enqueue_indirect_dma source(%dma_start3A_542 : memref<1000x128xf32, #tpu.memory_space<hbm>>) target(%arg9 : memref<128x128xf32, #tpu.memory_space<vmem>>) offsets(%dma_start3A_537 : memref<128xi32, #tpu.memory_space<vmem>>) semaphore(%arg13 : memref<!tpu.dma_semaphore, #tpu.memory_space<semaphore_mem>>)
      %sub3A_543 = arith.constant 2 : i32
      %sub3A_544 = arith.subi %add3A_485, %sub3A_543 : i32
      %dma_wait3A_545 = arith.constant 0 : i32
      %dma_wait3A_546 = arith.constant 0 : i32
      %dma_wait3A_547 = tpu.memref_slice %arg3[%dma_wait3A_545, %dma_wait3A_546] : memref<26000x128xf32, #tpu.memory_space<hbm>> -> memref<128x128xf32, #tpu.memory_space<hbm>>
      %dma_wait3A_548 = arith.constant 0 : i32
      %dma_wait3A_549 = arith.constant 0 : i32
      %dma_wait3A_550 = tpu.memref_slice %arg3[%dma_wait3A_548, %dma_wait3A_549] : memref<26000x128xf32, #tpu.memory_space<hbm>> -> memref<128x128xf32, #tpu.memory_space<hbm>>
      tpu.wait_dma2 semaphore(%arg11 : memref<!tpu.dma_semaphore, #tpu.memory_space<semaphore_mem>>) src(%dma_wait3A_550 : memref<128x128xf32, #tpu.memory_space<hbm>>) dst(%arg7 : memref<128x128xf32, #tpu.memory_space<vmem>>)
      %jit3A_551 = arith.constant 4 : i32
      %div3A_552 = arith.divsi %sub3A_544, %jit3A_551 : i32
      %sign3A_553 = arith.constant 0 : i32
      %sign3A_554 = arith.cmpi sgt, %sub3A_544, %sign3A_553 : i32
      %sign3A_555 = arith.extui %sign3A_554 : i1 to i32
      %sign3A_556 = arith.constant 0 : i32
      %sign3A_557 = arith.cmpi slt, %sub3A_544, %sign3A_556 : i32
      %sign3A_558 = arith.extui %sign3A_557 : i1 to i32
      %sign3A_559 = arith.subi %sign3A_555, %sign3A_558 : i32
      %sign3A_560 = arith.constant 0 : i32
      %sign3A_561 = arith.cmpi sgt, %jit3A_551, %sign3A_560 : i32
      %sign3A_562 = arith.extui %sign3A_561 : i1 to i32
      %sign3A_563 = arith.constant 0 : i32
      %sign3A_564 = arith.cmpi slt, %jit3A_551, %sign3A_563 : i32
      %sign3A_565 = arith.extui %sign3A_564 : i1 to i32
      %sign3A_566 = arith.subi %sign3A_562, %sign3A_565 : i32
      %ne3A_567 = arith.cmpi ne, %sign3A_559, %sign3A_566 : i32
      %rem3A_568 = arith.remsi %sub3A_544, %jit3A_551 : i32
      %ne3A_569 = arith.constant 0 : i32
      %ne3A_570 = arith.cmpi ne, %rem3A_568, %ne3A_569 : i32
      %and3A_571 = arith.andi %ne3A_567, %ne3A_570 : i1
      %sub3A_572 = arith.constant 1 : i32
      %sub3A_573 = arith.subi %div3A_552, %sub3A_572 : i32
      %select_n3A_574 = arith.select %and3A_571, %sub3A_573, %div3A_552 : i32
      %jit3A_575 = arith.constant 4 : i32
      %eq3A_576 = arith.constant 0 : i32
      %eq3A_577 = arith.cmpi eq, %jit3A_575, %eq3A_576 : i32
      %jit3A_578 = arith.constant 1 : i32
      %select_n3A_579 = arith.select %eq3A_577, %jit3A_578, %jit3A_575 : i32
      %rem3A_580 = arith.remsi %sub3A_544, %select_n3A_579 : i32
      %ne3A_581 = arith.constant 0 : i32
      %ne3A_582 = arith.cmpi ne, %rem3A_580, %ne3A_581 : i32
      %lt3A_583 = arith.constant 0 : i32
      %lt3A_584 = arith.cmpi slt, %rem3A_580, %lt3A_583 : i32
      %lt3A_585 = arith.constant 0 : i32
      %lt3A_586 = arith.cmpi slt, %select_n3A_579, %lt3A_585 : i32
      %ne3A_587 = arith.xori %lt3A_584, %lt3A_586 : i1
      %and3A_588 = arith.andi %ne3A_587, %ne3A_582 : i1
      %add3A_589 = arith.addi %rem3A_580, %select_n3A_579 : i32
      %select_n3A_590 = arith.select %and3A_588, %add3A_589, %rem3A_580 : i32
      %mul3A_591 = arith.constant 16384 : i32
      %mul3A_592 = arith.muli %select_n3A_574, %mul3A_591 : i32
      %add3A_593 = arith.addi %mul3A_592, %mul3A_2 : i32
      %mul3A_594 = arith.constant 128 : i32
      %mul3A_595 = arith.muli %select_n3A_590, %mul3A_594 : i32
      %add3A_596 = arith.addi %add3A_593, %mul3A_595 : i32
      %dma_start3A_597 = arith.constant 0 : i32
      %dma_start3A_598 = tpu.memref_slice %arg4[%add3A_596, %dma_start3A_597] : memref<425984x128xf32, #tpu.memory_space<hbm>> -> memref<128x128xf32, #tpu.memory_space<hbm>>
      %dma_start3A_599 = arith.constant 0 : i32
      %dma_start3A_600 = tpu.memref_slice %arg4[%add3A_596, %dma_start3A_599] : memref<425984x128xf32, #tpu.memory_space<hbm>> -> memref<128x128xf32, #tpu.memory_space<hbm>>
      tpu.enqueue_dma source(%arg7 : memref<128x128xf32, #tpu.memory_space<vmem>>) target(%dma_start3A_600 : memref<128x128xf32, #tpu.memory_space<hbm>>) target_semaphore(%arg15 : memref<!tpu.dma_semaphore, #tpu.memory_space<semaphore_mem>>)
    }
    %scan3A_81 = arith.constant 25 : i32
    %dma_wait3A_82 = arith.constant 0 : i32
    %dma_wait3A_83 = arith.constant 0 : i32
    %dma_wait3A_84 = tpu.memref_slice %arg3[%dma_wait3A_82, %dma_wait3A_83] : memref<26000x128xf32, #tpu.memory_space<hbm>> -> memref<128x128xf32, #tpu.memory_space<hbm>>
    %dma_wait3A_85 = arith.constant 0 : i32
    %dma_wait3A_86 = arith.constant 0 : i32
    %dma_wait3A_87 = tpu.memref_slice %arg3[%dma_wait3A_85, %dma_wait3A_86] : memref<26000x128xf32, #tpu.memory_space<hbm>> -> memref<128x128xf32, #tpu.memory_space<hbm>>
    tpu.wait_dma2 semaphore(%arg12 : memref<!tpu.dma_semaphore, #tpu.memory_space<semaphore_mem>>) src(%dma_wait3A_87 : memref<128x128xf32, #tpu.memory_space<hbm>>) dst(%arg8 : memref<128x128xf32, #tpu.memory_space<vmem>>)
    %add3A_88 = arith.constant 409600 : i32
    %add3A_89 = arith.addi %add3A_88, %mul3A_2 : i32
    %add3A_90 = arith.constant 256 : i32
    %add3A_91 = arith.addi %add3A_89, %add3A_90 : i32
    %dma_start3A_92 = arith.constant 0 : i32
    %dma_start3A_93 = tpu.memref_slice %arg4[%add3A_91, %dma_start3A_92] : memref<425984x128xf32, #tpu.memory_space<hbm>> -> memref<128x128xf32, #tpu.memory_space<hbm>>
    %dma_start3A_94 = arith.constant 0 : i32
    %dma_start3A_95 = tpu.memref_slice %arg4[%add3A_91, %dma_start3A_94] : memref<425984x128xf32, #tpu.memory_space<hbm>> -> memref<128x128xf32, #tpu.memory_space<hbm>>
    tpu.enqueue_dma source(%arg8 : memref<128x128xf32, #tpu.memory_space<vmem>>) target(%dma_start3A_95 : memref<128x128xf32, #tpu.memory_space<hbm>>) target_semaphore(%arg16 : memref<!tpu.dma_semaphore, #tpu.memory_space<semaphore_mem>>)
    %dma_wait3A_96 = arith.constant 0 : i32
    %dma_wait3A_97 = arith.constant 0 : i32
    %dma_wait3A_98 = tpu.memref_slice %arg3[%dma_wait3A_96, %dma_wait3A_97] : memref<26000x128xf32, #tpu.memory_space<hbm>> -> memref<128x128xf32, #tpu.memory_space<hbm>>
    %dma_wait3A_99 = arith.constant 0 : i32
    %dma_wait3A_100 = arith.constant 0 : i32
    %dma_wait3A_101 = tpu.memref_slice %arg3[%dma_wait3A_99, %dma_wait3A_100] : memref<26000x128xf32, #tpu.memory_space<hbm>> -> memref<128x128xf32, #tpu.memory_space<hbm>>
    tpu.wait_dma2 semaphore(%arg13 : memref<!tpu.dma_semaphore, #tpu.memory_space<semaphore_mem>>) src(%dma_wait3A_101 : memref<128x128xf32, #tpu.memory_space<hbm>>) dst(%arg9 : memref<128x128xf32, #tpu.memory_space<vmem>>)
    %add3A_102 = arith.constant 409600 : i32
    %add3A_103 = arith.addi %add3A_102, %mul3A_2 : i32
    %add3A_104 = arith.constant 384 : i32
    %add3A_105 = arith.addi %add3A_103, %add3A_104 : i32
    %dma_start3A_106 = arith.constant 0 : i32
    %dma_start3A_107 = tpu.memref_slice %arg4[%add3A_105, %dma_start3A_106] : memref<425984x128xf32, #tpu.memory_space<hbm>> -> memref<128x128xf32, #tpu.memory_space<hbm>>
    %dma_start3A_108 = arith.constant 0 : i32
    %dma_start3A_109 = tpu.memref_slice %arg4[%add3A_105, %dma_start3A_108] : memref<425984x128xf32, #tpu.memory_space<hbm>> -> memref<128x128xf32, #tpu.memory_space<hbm>>
    tpu.enqueue_dma source(%arg9 : memref<128x128xf32, #tpu.memory_space<vmem>>) target(%dma_start3A_109 : memref<128x128xf32, #tpu.memory_space<hbm>>) target_semaphore(%arg17 : memref<!tpu.dma_semaphore, #tpu.memory_space<semaphore_mem>>)
    %dma_wait3A_110 = arith.constant 0 : i32
    %dma_wait3A_111 = arith.constant 0 : i32
    %dma_wait3A_112 = tpu.memref_slice %arg4[%dma_wait3A_110, %dma_wait3A_111] : memref<425984x128xf32, #tpu.memory_space<hbm>> -> memref<128x128xf32, #tpu.memory_space<hbm>>
    %dma_wait3A_113 = arith.constant 0 : i32
    %dma_wait3A_114 = arith.constant 0 : i32
    %dma_wait3A_115 = tpu.memref_slice %arg4[%dma_wait3A_113, %dma_wait3A_114] : memref<425984x128xf32, #tpu.memory_space<hbm>> -> memref<128x128xf32, #tpu.memory_space<hbm>>
    tpu.wait_dma2 semaphore(%arg14 : memref<!tpu.dma_semaphore, #tpu.memory_space<semaphore_mem>>) src(%arg6 : memref<128x128xf32, #tpu.memory_space<vmem>>) dst(%dma_wait3A_115 : memref<128x128xf32, #tpu.memory_space<hbm>>)
    %dma_wait3A_116 = arith.constant 0 : i32
    %dma_wait3A_117 = arith.constant 0 : i32
    %dma_wait3A_118 = tpu.memref_slice %arg4[%dma_wait3A_116, %dma_wait3A_117] : memref<425984x128xf32, #tpu.memory_space<hbm>> -> memref<128x128xf32, #tpu.memory_space<hbm>>
    %dma_wait3A_119 = arith.constant 0 : i32
    %dma_wait3A_120 = arith.constant 0 : i32
    %dma_wait3A_121 = tpu.memref_slice %arg4[%dma_wait3A_119, %dma_wait3A_120] : memref<425984x128xf32, #tpu.memory_space<hbm>> -> memref<128x128xf32, #tpu.memory_space<hbm>>
    tpu.wait_dma2 semaphore(%arg15 : memref<!tpu.dma_semaphore, #tpu.memory_space<semaphore_mem>>) src(%arg7 : memref<128x128xf32, #tpu.memory_space<vmem>>) dst(%dma_wait3A_121 : memref<128x128xf32, #tpu.memory_space<hbm>>)
    %dma_wait3A_122 = arith.constant 0 : i32
    %dma_wait3A_123 = arith.constant 0 : i32
    %dma_wait3A_124 = tpu.memref_slice %arg4[%dma_wait3A_122, %dma_wait3A_123] : memref<425984x128xf32, #tpu.memory_space<hbm>> -> memref<128x128xf32, #tpu.memory_space<hbm>>
    %dma_wait3A_125 = arith.constant 0 : i32
    %dma_wait3A_126 = arith.constant 0 : i32
    %dma_wait3A_127 = tpu.memref_slice %arg4[%dma_wait3A_125, %dma_wait3A_126] : memref<425984x128xf32, #tpu.memory_space<hbm>> -> memref<128x128xf32, #tpu.memory_space<hbm>>
    tpu.wait_dma2 semaphore(%arg16 : memref<!tpu.dma_semaphore, #tpu.memory_space<semaphore_mem>>) src(%arg8 : memref<128x128xf32, #tpu.memory_space<vmem>>) dst(%dma_wait3A_127 : memref<128x128xf32, #tpu.memory_space<hbm>>)
    %dma_wait3A_128 = arith.constant 0 : i32
    %dma_wait3A_129 = arith.constant 0 : i32
    %dma_wait3A_130 = tpu.memref_slice %arg4[%dma_wait3A_128, %dma_wait3A_129] : memref<425984x128xf32, #tpu.memory_space<hbm>> -> memref<128x128xf32, #tpu.memory_space<hbm>>
    %dma_wait3A_131 = arith.constant 0 : i32
    %dma_wait3A_132 = arith.constant 0 : i32
    %dma_wait3A_133 = tpu.memref_slice %arg4[%dma_wait3A_131, %dma_wait3A_132] : memref<425984x128xf32, #tpu.memory_space<hbm>> -> memref<128x128xf32, #tpu.memory_space<hbm>>
    tpu.wait_dma2 semaphore(%arg17 : memref<!tpu.dma_semaphore, #tpu.memory_space<semaphore_mem>>) src(%arg9 : memref<128x128xf32, #tpu.memory_space<vmem>>) dst(%dma_wait3A_133 : memref<128x128xf32, #tpu.memory_space<hbm>>)
    return
  }
}

</mosaic_0001>

<sc_bundles>
// kernel: kernel.3.cloned.1.call-start
scs
__scs_entry_jumppad:
0x0: {  	(pc) =	sbr.rel $0x88, $3  }
0x1: {  	(tag) =	ssettag $0x0;
	lr =	simm.s32 $0x1  }
0x2: {  	[smem:$0x3F9F] =	sst lr;
	_ =	strace $0xD0000000  }
0x3: {  	_ = 	snop  }
0x4: {  	_ = 	snop  }
0x5: {  	_ = 	snop  }
0x6: {  	_ = 	snop  }
0x7: {  	_ = 	snop  }
__scs_overlays_trampoline_lowered:
0x8: {  	[smem:$0x3FAE] =	sst s0  }
0x9: {  	[smem:$0x3FAF] =	sst s1  }
0xa: {  	[smem:$0x3FB0] =	sst s2  }
0xb: {  	[smem:$0x3FB1] =	sst s3  }
0xc: {  	[smem:$0x3FB2] =	sst s4  }
0xd: {  	[smem:$0x3FB3] =	sst s5  }
0xe: {  	[smem:$0x3FB4] =	sst s6  }
0xf: {  	[smem:$0x3FB5] =	sst s7  }
0x10: {  	[smem:$0x3FB6] =	sst s8  }
0x11: {  	[smem:$0x3FB7] =	sst s9;
	s0 =	simm.s32 @!p0 $0x0  }
0x12: {  	s1 =	sld [smem:$0x3F9D];
	s0 =	simm.s32 @p0 $0x1  }
0x13: {  	[smem:$0x3FB8] =	sst s0;
	s0 =	simm.s32 @!p1 $0x0  }
0x14: {  	s2 =	sld [smem:$0x3F9C];
	s0 =	simm.s32 @p1 $0x1  }
0x15: {  	[smem:$0x3FB9] =	sst s0;
	s0 =	simm.s32 @!p2 $0x0  }
0x16: {  	s3 =	sld [smem:$0x3FDB];
	s0 =	simm.s32 @p2 $0x1  }
0x17: {  	s4 =	simm.s32 $0x1BF5;
	[smem:$0x3FBB] =	sst s0  }
0x18: {  	s0 =	sld [smem:$0x3F9E];
	_ =	swait.ge [sflag:s4], $0x0  }
0x19: {  	s7 =	sld [smem:$0x3F9F]  }
0x1a: {  	s8 =	sadd.s32 $0xFFFFE003, lr  }
0x1b: {  	s9 =	sadd.s32 $0xFFFFFEF7, lr;
	s5 =	simm.s32 $0xFFFFFFFF;
	p2 =	slt.u32 s8, $0xFFFFF086  }
0x1c: {  	p1 =	slt.u32 s9, $0xF7A;
	s5 =	simm.s32 @!p2 $0x0  }
0x1d: {  	s5 =	simm.s32 @p1 $0x1;
	p0 =	seq.s32 s7, s2  }
0x1e: {  	s7 =	smul.u32 @!p0 $0xF7A, s2;
	p2 =	seq.s32 @!p0 s5, $0x0  }
0x1f: {  	s9 =	smul.u32 $0xF7A, s1;
	s8 =	simm.s32 @!p0 $0x1BF5;
	p2 =	por !p2, p0  }
0x20: {  	[sflag:s8] =	ssyncset.s32 @!p0 $0xFFFFF086;
	s6 =	sadd.s32 @!p0 s3, s7;
	s7 =	simm.s32 @!p0 $0x108  }
0x21: {  	s3 =	sadd.s32 s3, s9;
	s6 =	sadd.s32 @!p0 $0x88, s6;
	s7 =	simm.s32 @p2 $0x1082  }
0x22: {  	[simem:s7], [sflag:s8] =	dma.local @!p0 [hbm:s6], $0xF7A  }
0x23: {  	s9 =	sor.u32 $0xD0000000, s2;
	s6 =	simm.s32 $0x108;
	_ =	swait.ge @!p0 [sflag:s8], $0x0  }
0x24: {  	s3 =	sadd.s32 $0x88, s3;
	s6 =	simm.s32 @!p1 $0x1082;
	[sflag:s4] =	ssyncset.s32 $0xFFFFF086  }
0x25: {  	[simem:s6], [sflag:s4] =	dma.local [hbm:s3], $0xF7A  }
0x26: {  	[smem:$0x3F9F] =	sst s1;
	(tag) =	ssettag s2;
	_ =	strace s9  }
0x27: {  	s1 =	sld [smem:$0x3FAF]  }
0x28: {  	s2 =	sld [smem:$0x3FB0]  }
0x29: {  	s4 =	sld [smem:$0x3FB2]  }
0x2a: {  	p0 =	seq.s32 s5, $0x0;
	s5 =	sld [smem:$0x3FB3]  }
0x2b: {  	s6 =	sld [smem:$0x3FB4]  }
0x2c: {  	s7 =	sld [smem:$0x3FB5]  }
0x2d: {  	s3 =	simm.s32 $0x108;
	s8 =	sld [smem:$0x3FB6]  }
0x2e: {  	s3 =	simm.s32 @!p0 $0x1082;
	s9 =	sld [smem:$0x3FB7]  }
0x2f: {  	lr =	sadd.s32 s0, s3;
	s0 =	sld [smem:$0x3FAE]  }
0x30: {  	s3 =	sld [smem:$0x3FB1]  }
0x31: {  	[smem:$0x3FBA] =	sst s10  }
0x32: {  	s10 =	sld [smem:$0x3FB8];
	_ =	sdelay $0x3  }
0x33: {  	p0 =	seq.s32 s10, $0x1;
	s10 =	sld [smem:$0x3FBA];
	_ =	sdelay $0x3  }
0x34: {  	[smem:$0x3FBA] =	sst s10  }
0x35: {  	s10 =	sld [smem:$0x3FB9];
	_ =	sdelay $0x3  }
0x36: {  	p1 =	seq.s32 s10, $0x1;
	s10 =	sld [smem:$0x3FBA];
	_ =	sdelay $0x3  }
0x37: {  	[smem:$0x3FBA] =	sst s10  }
0x38: {  	s10 =	sld [smem:$0x3FBB]  }
0x39: {  	_ = 	snop;
	(pc) =	sbr.ind lr, $3  }
0x3a: {  	_ = 	snop  }
0x3b: {  	_ = 	snop  }
0x3c: {  	p2 =	seq.s32 s10, $0x1;
	s10 =	sld [smem:$0x3FBA]  }
0x3d: {  	_ =	shalt  }
0x3e: {  	_ =	shalt  }
0x3f: {  	_ =	shalt  }
0x40: {  	_ =	shalt  }
0x41: {  	_ =	shalt  }
0x42: {  	_ =	shalt  }
0x43: {  	_ =	shalt  }
0x44: {  	_ =	shalt  }
0x45: {  	_ =	shalt  }
0x46: {  	_ =	shalt  }
0x47: {  	_ =	shalt  }
0x48: {  	_ =	shalt  }
0x49: {  	_ =	shalt  }
0x4a: {  	_ =	shalt  }
0x4b: {  	_ =	shalt  }
0x4c: {  	_ =	shalt  }
0x4d: {  	_ =	shalt  }
0x4e: {  	_ =	shalt  }
0x4f: {  	_ =	shalt  }
0x50: {  	_ =	shalt  }
0x51: {  	_ =	shalt  }
0x52: {  	_ =	shalt  }
0x53: {  	_ =	shalt  }
0x54: {  	_ =	shalt  }
0x55: {  	_ =	shalt  }
0x56: {  	_ =	shalt  }
0x57: {  	_ =	shalt  }
0x58: {  	_ =	shalt  }
0x59: {  	_ =	shalt  }
0x5a: {  	_ =	shalt  }
0x5b: {  	_ =	shalt  }
0x5c: {  	_ =	shalt  }
0x5d: {  	_ =	shalt  }
0x5e: {  	_ =	shalt  }
0x5f: {  	_ =	shalt  }
0x60: {  	_ =	shalt  }
0x61: {  	_ =	shalt  }
0x62: {  	_ =	shalt  }
0x63: {  	_ =	shalt  }
0x64: {  	_ =	shalt  }
0x65: {  	_ =	shalt  }
0x66: {  	_ =	shalt  }
0x67: {  	_ =	shalt  }
0x68: {  	_ =	shalt  }
0x69: {  	_ =	shalt  }
0x6a: {  	_ =	shalt  }
0x6b: {  	_ =	shalt  }
0x6c: {  	_ =	shalt  }
0x6d: {  	_ =	shalt  }
0x6e: {  	_ =	shalt  }
0x6f: {  	_ =	shalt  }
0x70: {  	_ =	shalt  }
0x71: {  	_ =	shalt  }
0x72: {  	_ =	shalt  }
0x73: {  	_ =	shalt  }
0x74: {  	_ =	shalt  }
0x75: {  	_ =	shalt  }
0x76: {  	_ =	shalt  }
0x77: {  	_ =	shalt  }
0x78: {  	_ =	shalt  }
0x79: {  	_ =	shalt  }
0x7a: {  	_ =	shalt  }
0x7b: {  	_ =	shalt  }
0x7c: {  	_ =	shalt  }
0x7d: {  	_ =	shalt  }
0x7e: {  	_ =	shalt  }
0x7f: {  	_ =	shalt  }
0x80: {  	_ =	shalt  }
0x81: {  	_ =	shalt  }
0x82: {  	_ =	shalt  }
0x83: {  	_ =	shalt  }
0x84: {  	_ =	shalt  }
0x85: {  	_ =	shalt  }
0x86: {  	_ =	shalt  }
0x87: {  	_ =	shalt  }
.Lfunc_end0:
.L_simem_size_0:
called_computation_lowered:
.L_overlay_start_0:
0x88: {  	s2 =	sld [smem:$0x3FD9]  }
0x89: {  	s3 =	sld [smem:$0x3FFE];
	_ =	sdelay $0x1  }
0x8a: {  	s1 =	srdreg.scid  }
0x8b: {  	s0 =	sand.u32 $0x1, s1  }
0x8c: {  	s18 =	sshll.u32 s0, $0xA;
	s2 =	sadd.s32 s3, s2  }
0x8d: {  	s2 =	sadd.s32 s2, s18  }
0x8e: {  	[smem:$0x3FC6] =	sst s2  }
0x8f: {  	_ = 	snop  }
0x90: {  	s2 =	sld [smem:$0x3FC9]  }
0x91: {  	s19 =	sld [smem:$0x3FC8]  }
0x92: {  	s4 =	sld [smem:$0x3FD0];
	(tm) =	ssettm $0x1  }
0x93: {  	s5 =	sld [smem:$0x3FFB];
	_ =	sdelay $0x3  }
0x94: {  	_ =	strace s5  }
0x95: {  	s5 =	sld [smem:$0x3FFC];
	_ =	sdelay $0x3  }
0x96: {  	_ =	strace s5  }
0x97: {  	s5 =	sld [smem:$0x3FFD];
	_ =	sdelay $0x3  }
0x98: {  	_ =	strace s5  }
0x99: {  	_ =	strace $0x8FFFFFFF  }
0x9a: {  	s20 =	sld [smem:$0x3FDB];
	_ =	sdelay $0x1  }
0x9b: {  	s6 =	simm.s32 $_scs_section_size  }
0x9c: {  	s7 =	simm.s32 $_size__tile_overlayer_lowered;
	s8 =	simm.s32 $_tile_overlayer_lowered  }
0x9d: {  	s23 =	simm.s32 $0x1BFF;
	s22 =	sshll.u32 s8, $0x1;
	s5 =	sadd.s32 s6, s20  }
0x9e: {  	s9 =	simm.s32 $0x0;
	s21 =	sshll.u32 s7, $0x1;
	s7 =	sadd.s32 s22, s5  }
0x9f: {  	[timem:s9], [sflag:s23] =	dma.local [hbm:s7], s21  }
0xa0: {  	_ =	swait.ge [sflag:s23], s21  }
0xa1: {  	s6 =	ssub.s32 $0x0, s21;
	[sflag:s23] =	ssyncset.done $0x0  }
0xa2: {  	[sflag:s23] =	ssyncadd.s32 s6;
	_ =	sdelay $0x1  }
0xa3: {  	s24 =	simm.s32 $0x1B8B  }
0xa4: {  	_ =	swait.ge [sflag:s24], $0x1  }
0xa5: {  	[sflag:s24] =	ssyncset.done $0x0  }
0xa6: {  	s25 =	simm.s32 $0x1B8E;
	[sflag:s24] =	ssyncadd.s32 $0xFFFFFFFF  }
0xa7: {  	s26 =	simm.s32 $execute0_lowered;
	[smem:$0x3FD2] =	sst s25  }
0xa8: {  	s6 =	sshll.u32 s26, $0x1;
	_ =	strace $0x80000046;
	[dreg:$0x1] =	wrdreg $0xFFFFFFFF  }
0xa9: {  	s28 =	simm.s32 $_size_execute0_lowered;
	s5 =	sadd.s32 s5, s6;
	[dreg:$0x0] =	wrdreg $0x0  }
0xaa: {  	s6 =	sshll.u32 s28, $0x1;
	[dreg:$0x2] =	wrdreg s5  }
0xab: {  	[dreg:$0x3] =	wrdreg s6  }
0xac: {  	[dreg:$0x4] =	wrdreg $0xC0  }
0xad: {  	_ =	task [dreg:s9], $0x5FFFF  }
0xae: {  	[dreg:$0x1] =	wrdreg $0xFFFFFFFF  }
0xaf: {  	[dreg:$0x0] =	wrdreg $0x60  }
0xb0: {  	[dreg:$0x2] =	wrdreg s2  }
0xb1: {  	[dreg:$0x3] =	wrdreg s19  }
0xb2: {  	[dreg:$0x4] =	wrdreg s4  }
0xb3: {  	[dreg:$0x5] =	wrdreg $0x9  }
0xb4: {  	_ =	task.clear_ibuf [dreg:s9], $0x6FFFF;
	_ =	strace $0x90000046  }
0xb5: {  	s29 =	simm.s32 $0x9;
	_ =	strace $0x80000048  }
0xb6: {  	_ =	swait.ge [sflag:s29], $0x1  }
0xb7: {  	[sflag:s29] =	ssyncadd.s32 $0xFFFFFFFF  }
0xb8: {  	_ =	strace $0x90000048  }
0xb9: {  	_ =	sfence  }
0xba: {  	s30 =	sld [smem:$0x0];
	_ =	sdelay $0x2  }
0xbb: {  	s31 =	sshll.u32 s1, $0xD;
	s1 =	sshrl.u32 s1, $0x2  }
0xbc: {  	s3 =	sand.u32 $0x4000, s31;
	s1 =	sadd.s32 s1, s30  }
0xbd: {  	s0 =	sor.u32 s3, s0;
	s1 =	sshll.u32 s1, $0x11  }
0xbe: {  	s0 =	sor.u32 s1, s0  }
0xbf: {  	s0 =	sadd.s32 $0x8F2B, s0  }
0xc0: {  	[sflag:s0] =	ssyncadd.remote.s32 $0x1  }
0xc1: {  	_ =	sfence.sel $0xFFFF  }
0xc2: {  	[dreg:$0x0] =	wrdreg $0xFFFFFFFF;
	(pc) =	sbr.abs _section_cstart, $3  }
0xc3: {  	[dreg:$0x1] =	wrdreg $0xFFFFFFFF  }
0xc4: {  	_ =	task.clear_ibuf [dreg:s9], $0x2FFFF;
	_ =	strace $0x9FFFFFFF  }
0xc5: {  	(tm) =	ssettm $0x7FFFFFFF  }
tec
execute0_lowered:
.L_overlay_start_1:
0x0: {  	(tag) =	ssettag $0x1  }
0x1: {  	s0 =	rddreg [dreg:$0x0]  }
0x2: {  	s9 =	rddreg [dreg:$0x1]  }
0x3: {  	s1 =	srdreg.scid;
	s4 =	rddreg [dreg:$0x2]  }
0x4: {  	s2 =	stileid.u32;
	s3 =	simm.s32 $0x0;
	s16 =	simm.s32 $0x4000  }
0x5: {  	s28 =	simm.s32 $0x3;
	s29 =	simm.s32 $0x6;
	s30 =	simm.s32 $0x4  }
0x6: {  	s31 =	simm.s32 $0x7;
	s1 =	sand.u32 $0x1, s1;
	s5 =	sshll.u32 s2, $0xA  }
0x7: {  	[smem:$0x7FF] =	sst s3;
	s20 =	sadd.s32 $0x1000, s4;
	s21 =	sshll.u32 s2, $0xE  }
0x8: {  	s22 =	sadd.s32 $0x1800, s4;
	_ =	strace $0x80000047;
	[dreg:$0x4] =	wrdreg s20  }
0x9: {  	s26 =	sadd.s32 $0x3E80, s9;
	s6 =	sshll.u32 s1, $0x9;
	[dreg:$0x5] =	wrdreg s22  }
0xa: {  	s7 =	ssub.s32 $0x2, s1;
	s1 =	sshll.u32 s1, $0xD;
	[dreg:$0xd] =	wrdreg s26  }
0xb: {  	s20 =	simm.s32 $0xC000;
	s5 =	sor.u32 s6, s5;
	s18 =	sshrl.u32 s7, $0x1  }
0xc: {  	s26 =	simm.s32 $0x80;
	s8 =	sshll.u32 s5, $0x4;
	s6 =	ssub.s32 s7, s18  }
0xd: {  	s0 =	sadd.s32 s0, s5;
	s7 =	sshll.u32 s5, $0x7;
	s18 =	simm.s32 $0x8000  }
0xe: {  	s8 =	sadd.s32 s4, s8;
	[dreg:$0x7] =	wrdreg s0;
	s0 =	sadd.s32 s21, s4  }
0xf: {  	s25 =	smax.u32 s6, $0x1;
	s21 =	simm.s32 $0x1;
	[dreg:$0x6] =	wrdreg s8  }
0x10: {  	s19 =	sadd.s32 $0x800, s8;
	s23 =	sadd.s32 $0x641000, s8;
	[dreg:$0xb] =	wrdreg s25  }
0x11: {  	s0 =	sadd.s32 s1, s0;
	s24 =	sadd.s32 $0x641800, s8;
	[dreg:$0x8] =	wrdreg s19  }
0x12: {  	s25 =	simm.s32 $0x5;
	s1 =	simm.s32 $0x0;
	[dreg:$0x9] =	wrdreg s23  }
0x13: {  	[dreg:$0xa] =	wrdreg s24;
	s0 =	sadd.s32 $0x40000, s0;
	s23 =	simm.s32 $0x10000  }
0x14: {  	s24 =	simm.s32 $0x2;
	[dreg:$0xc] =	wrdreg s0;
	s0 =	simm.s32 $0x8  }
.LBB2_1:
0x15: {  	s2 =	rddreg [dreg:$0x7]  }
0x16: {  	s4 =	simm.s32 $0x1000;
	s5 =	simm.s32 $0x20000;
	s17 =	simm.s32 $0x9  }
0x17: {  	[tilespmem:s3], [sflag:$0x9] =	stream.strided.gather [hbm4b:s2+s4], $0x4000, s5, s4, $0x38;
	[tilespmem:$0x14000] =	vst v63  }
0x18: {  	_ =	swait.ge [sflag:s17], $0x4000  }
0x19: {  	[sflag:s17] =	ssyncset.done $0x0  }
0x1a: {  	[sflag:s17] =	ssyncadd.s32 $0xFFFFC000  }
0x1b: {  	s2 =	rddreg [dreg:$0x1]  }
0x1c: {  	[tilespmem:s16], [sflag:$0x1] =	stream.indirect.gather [hbm4b:s2+s26], $0x80, s3, s26, $0xb8;
	[tilespmem:$0x14000] =	vst v63  }
0x1d: {  	s19 =	simm.s32 $0x400  }
0x1e: {  	[tilespmem:s18], [sflag:$0x2] =	stream.indirect.gather [hbm4b:s2+s26], $0x80, s19, s26, $0xb8;
	[tilespmem:$0x14000] =	vst v63  }
0x1f: {  	s22 =	simm.s32 $0x800  }
0x20: {  	[tilespmem:s20], [sflag:$0x3] =	stream.indirect.gather [hbm4b:s2+s26], $0x80, s22, s26, $0xb8;
	[tilespmem:$0x14000] =	vst v63  }
0x21: {  	_ =	swait.ge [sflag:s21], $0x4000  }
0x22: {  	s9 =	simm.s32 $0x0;
	[sflag:s21] =	ssyncset.done $0x0  }
0x23: {  	s4 =	sand.u32 $0x3, s9;
	s5 =	rddreg [dreg:$0x6];
	[sflag:s21] =	ssyncadd.s32 $0xFFFFC000  }
0x24: {  	[hbm4b:s5+s3] =	stream.linear.scatter [tilespmem:s16], [sflag:$0x5], $0x4000, $0x38;
	[tilespmem:$0x14000] =	vst v63  }
0x25: {  	s6 =	simm.s32 $0xC00;
	s4 =	sadd.s32 $0x2, s4  }
0x26: {  	[tilespmem:s23], [sflag:$0x4] =	stream.indirect.gather [hbm4b:s2+s26], $0x80, s6, s26, $0xb8;
	[tilespmem:$0x14000] =	vst v63  }
0x27: {  	s4 =	sshll.u32 s4, $0x18;
	_ =	swait.ge [sflag:s24], $0x4000  }
0x28: {  	s4 =	sshra.s32 s4, $0x1A;
	[sflag:s24] =	ssyncset.done $0x0  }
0x29: {  	s4 =	sadd.s32 $0x0, s4;
	s8 =	rddreg [dreg:$0x8];
	[sflag:s24] =	ssyncadd.s32 $0xFFFFC000  }
0x2a: {  	[hbm4b:s8+s3] =	stream.linear.scatter [tilespmem:s18], [sflag:$0x6], $0x4000, $0x38;
	[tilespmem:$0x14000] =	vst v63  }
0x2b: {  	s10 =	simm.s32 $0x200;
	s4 =	sshll.u32 s4, $0x15;
	_ =	swait.ge [sflag:s25], $0x4000  }
0x2c: {  	s5 =	sand.u32 $0x3000, s10;
	s6 =	sand.u32 $0x380, s26;
	[sflag:s25] =	ssyncset.done $0x0  }
0x2d: {  	s19 =	sor.u32 s6, s5;
	s12 =	rddreg [dreg:$0xd];
	[sflag:s25] =	ssyncadd.s32 $0xFFFFC000  }
0x2e: {  	[tilespmem:s16], [sflag:$0x1] =	stream.indirect.gather [hbm4b:s12+s26], $0x80, s19, s26, $0xb8;
	[tilespmem:$0x14000] =	vst v63  }
0x2f: {  	s13 =	simm.s32 $0x0;
	s4 =	sor.u32 s7, s4;
	_ =	swait.ge [sflag:s28], $0x4000  }
0x30: {  	s4 =	sshrl.u32 s4, $0x3;
	s11 =	rddreg [dreg:$0x4];
	[sflag:s28] =	ssyncset.done $0x0  }
0x31: {  	s14 =	sand.u32 $0x3, s13;
	[sflag:s28] =	ssyncadd.s32 $0xFFFFC000;
	s4 =	sadd.s32 s4, s11  }
0x32: {  	[hbm4b:s4+s3] =	stream.linear.scatter [tilespmem:s20], [sflag:$0x7], $0x4000, $0x38;
	[tilespmem:$0x14000] =	vst v63  }
0x33: {  	s4 =	sadd.s32 $0x3, s14  }
0x34: {  	_ =	swait.ge [sflag:s29], $0x4000;
	s4 =	sshll.u32 s4, $0x18  }
0x35: {  	[sflag:s29] =	ssyncset.done $0x0;
	s4 =	sshra.s32 s4, $0x1A  }
0x36: {  	s15 =	sor.u32 $0x400, s19;
	[sflag:s29] =	ssyncadd.s32 $0xFFFFC000;
	s4 =	sadd.s32 $0x0, s4  }
0x37: {  	[tilespmem:s18], [sflag:$0x2] =	stream.indirect.gather [hbm4b:s12+s26], $0x80, s15, s26, $0xb8;
	[tilespmem:$0x14000] =	vst v63  }
0x38: {  	s4 =	sshll.u32 s4, $0x15  }
0x39: {  	_ =	swait.ge [sflag:s30], $0x4000;
	s4 =	sor.u32 s7, s4  }
0x3a: {  	s17 =	rddreg [dreg:$0x5];
	[sflag:s30] =	ssyncset.done $0x0;
	s4 =	sshrl.u32 s4, $0x3  }
0x3b: {  	[sflag:s30] =	ssyncadd.s32 $0xFFFFC000;
	s4 =	sadd.s32 s4, s17  }
0x3c: {  	[hbm4b:s4+s3] =	stream.linear.scatter [tilespmem:s23], [sflag:$0x8], $0x4000, $0x38;
	[tilespmem:$0x14000] =	vst v63  }
0x3d: {  	_ =	swait.ge [sflag:s31], $0x4000  }
0x3e: {  	[sflag:s31] =	ssyncset.done $0x0  }
0x3f: {  	s22 =	sor.u32 $0x800, s19;
	[sflag:s31] =	ssyncadd.s32 $0xFFFFC000  }
0x40: {  	[tilespmem:s20], [sflag:$0x3] =	stream.indirect.gather [hbm4b:s12+s26], $0x80, s22, s26, $0xb8;
	[tilespmem:$0x14000] =	vst v63  }
0x41: {  	s9 =	simm.s32 $0xB;
	s6 =	simm.s32 $0x6;
	_ =	swait.ge [sflag:s21], $0x4000  }
0x42: {  	s5 =	simm.s32 $0x100;
	s14 =	sadd.s32 $0x3E80, s12;
	s11 =	rddreg [dreg:$0xc]  }
0x43: {  	s17 =	simm.s32 $0x7;
	s22 =	simm.s32 $0x400;
	s13 =	sadd.s32 $0x40000, s11  }
.LBB2_2:
0x44: {  	[sflag:s21] =	ssyncset.done $0x0  }
0x45: {  	s2 =	sadd.s32 $0xFFFFFFFF, s9;
	s8 =	sshll.u32 s6, $0x18;
	[sflag:s21] =	ssyncadd.s32 $0xFFFFC000  }
0x46: {  	[hbm4b:s11+s3] =	stream.linear.scatter [tilespmem:s16], [sflag:$0x5], $0x4000, $0x38;
	[tilespmem:$0x14000] =	vst v63  }
0x47: {  	s4 =	smov.u32 s9;
	s8 =	sshra.s32 s8, $0x1F;
	_ =	swait.ge [sflag:s0], $0x4000  }
0x48: {  	s15 =	sadd.s32 $0x4, s9;
	s8 =	sand.u32 $0x3, s8;
	[sflag:s0] =	ssyncset.done $0x0  }
0x49: {  	s19 =	sor.u32 $0xC00, s19;
	s8 =	sadd.s32 s8, s6;
	[sflag:s0] =	ssyncadd.s32 $0xFFFFC000  }
0x4a: {  	[tilespmem:s23], [sflag:$0x4] =	stream.indirect.gather [hbm4b:s12+s26], $0x80, s19, s26, $0xb8;
	[tilespmem:$0x14000] =	vst v63  }
0x4b: {  	p0 =	sne.s32 s9, $0x63;
	s8 =	sshll.u32 s8, $0x18;
	_ =	swait.ge [sflag:s24], $0x4000  }
0x4c: {  	s10 =	sshra.s32 s6, $0x1F;
	s8 =	sshra.s32 s8, $0x1A;
	[sflag:s24] =	ssyncset.done $0x0  }
0x4d: {  	s11 =	sadd.s32 $0x800, s11;
	s6 =	sadd.s32 s8, s10;
	[sflag:s24] =	ssyncadd.s32 $0xFFFFC000  }
0x4e: {  	[hbm4b:s11+s3] =	stream.linear.scatter [tilespmem:s18], [sflag:$0x6], $0x4000, $0x38;
	[tilespmem:$0x14000] =	vst v63  }
0x4f: {  	s12 =	sand.u32 $0x380, s5;
	s19 =	sand.u32 $0x3000, s22;
	_ =	swait.ge [sflag:s25], $0x4000  }
0x50: {  	s6 =	sshll.u32 s6, $0x15;
	s19 =	sor.u32 s12, s19;
	[sflag:s25] =	ssyncset.done $0x0  }
0x51: {  	s10 =	sor.u32 s7, s6;
	s6 =	smov.u32 s2;
	[sflag:s25] =	ssyncadd.s32 $0xFFFFC000  }
0x52: {  	[tilespmem:s16], [sflag:$0x1] =	stream.indirect.gather [hbm4b:s14+s26], $0x80, s19, s26, $0xb8;
	[tilespmem:$0x14000] =	vst v63  }
0x53: {  	s9 =	sshrl.u32 s10, $0x3;
	s10 =	sshll.u32 s17, $0x18;
	_ =	swait.ge [sflag:s28], $0x4000  }
0x54: {  	s10 =	sshra.s32 s10, $0x1F;
	s8 =	rddreg [dreg:$0x4];
	[sflag:s28] =	ssyncset.done $0x0  }
0x55: {  	[sflag:s28] =	ssyncadd.s32 $0xFFFFC000;
	s2 =	sadd.s32 s9, s8;
	s9 =	sand.u32 $0x3, s10  }
0x56: {  	[hbm4b:s2+s3] =	stream.linear.scatter [tilespmem:s20], [sflag:$0x7], $0x4000, $0x38;
	[tilespmem:$0x14000] =	vst v63  }
0x57: {  	s2 =	sadd.s32 s9, s17  }
0x58: {  	_ =	swait.ge [sflag:s29], $0x4000;
	s2 =	sshll.u32 s2, $0x18  }
0x59: {  	s10 =	sshra.s32 s17, $0x1F;
	[sflag:s29] =	ssyncset.done $0x0;
	s2 =	sshra.s32 s2, $0x1A  }
0x5a: {  	s17 =	sor.u32 $0x400, s19;
	[sflag:s29] =	ssyncadd.s32 $0xFFFFC000;
	s2 =	sadd.s32 s2, s10  }
0x5b: {  	[tilespmem:s18], [sflag:$0x2] =	stream.indirect.gather [hbm4b:s14+s26], $0x80, s17, s26, $0xb8;
	[tilespmem:$0x14000] =	vst v63  }
0x5c: {  	s2 =	sshll.u32 s2, $0x15  }
0x5d: {  	s22 =	sadd.s32 $0x200, s22;
	_ =	swait.ge [sflag:s30], $0x4000;
	s2 =	sor.u32 s7, s2  }
0x5e: {  	s9 =	rddreg [dreg:$0x5];
	[sflag:s30] =	ssyncset.done $0x0;
	s2 =	sshrl.u32 s2, $0x3  }
0x5f: {  	s5 =	sadd.s32 $0x80, s5;
	[sflag:s30] =	ssyncadd.s32 $0xFFFFC000;
	s2 =	sadd.s32 s2, s9  }
0x60: {  	[hbm4b:s2+s3] =	stream.linear.scatter [tilespmem:s23], [sflag:$0x8], $0x4000, $0x38;
	[tilespmem:$0x14000] =	vst v63  }
.Ltmp0:
0x61: {  	s12 =	smov.u32 s14;
	_ =	swait.ge [sflag:s31], $0x4000;
	(pc) =	sbr.rel @p0 .LBB2_2-.Ltmp0, $4  }
0x62: {  	s11 =	smov.u32 s13;
	s13 =	sadd.s32 $0x40000, s13;
	[sflag:s31] =	ssyncset.done $0x0  }
0x63: {  	s10 =	sor.u32 $0x800, s19;
	s17 =	smov.u32 s4;
	[sflag:s31] =	ssyncadd.s32 $0xFFFFC000  }
0x64: {  	[tilespmem:s20], [sflag:$0x3] =	stream.indirect.gather [hbm4b:s12+s26], $0x80, s10, s26, $0xb8;
	[tilespmem:$0x14000] =	vst v63  }
0x65: {  	s14 =	sadd.s32 $0x3E80, s14;
	s9 =	smov.u32 s15;
	_ =	swait.ge [sflag:s21], $0x4000  }
0x66: {  	[sflag:s21] =	ssyncset.done $0x0  }
0x67: {  	[sflag:s21] =	ssyncadd.s32 $0xFFFFC000  }
0x68: {  	[hbm4b:s11+s3] =	stream.linear.scatter [tilespmem:s16], [sflag:$0x5], $0x4000, $0x38;
	[tilespmem:$0x14000] =	vst v63  }
0x69: {  	_ =	swait.ge [sflag:s0], $0x4000  }
0x6a: {  	[sflag:s0] =	ssyncset.done $0x0  }
0x6b: {  	s2 =	sor.u32 $0xC00, s19;
	[sflag:s0] =	ssyncadd.s32 $0xFFFFC000  }
0x6c: {  	[tilespmem:s23], [sflag:$0x4] =	stream.indirect.gather [hbm4b:s12+s26], $0x80, s2, s26, $0xb8;
	[tilespmem:$0x14000] =	vst v63  }
0x6d: {  	s12 =	sshll.u32 s6, $0x18  }
0x6e: {  	_ =	swait.ge [sflag:s24], $0x4000;
	s2 =	sshra.s32 s12, $0x1F  }
0x6f: {  	[sflag:s24] =	ssyncset.done $0x0;
	s2 =	sand.u32 $0x3, s2  }
0x70: {  	s11 =	sadd.s32 $0x800, s11;
	[sflag:s24] =	ssyncadd.s32 $0xFFFFC000;
	s2 =	sadd.s32 s2, s6  }
0x71: {  	[hbm4b:s11+s3] =	stream.linear.scatter [tilespmem:s18], [sflag:$0x6], $0x4000, $0x38;
	[tilespmem:$0x14000] =	vst v63  }
0x72: {  	s4 =	sand.u32 $0x380, s5;
	s2 =	sshll.u32 s2, $0x18  }
0x73: {  	s19 =	sshra.s32 s6, $0x1F;
	_ =	swait.ge [sflag:s25], $0x4000;
	s2 =	sshra.s32 s2, $0x1A  }
0x74: {  	s15 =	sand.u32 $0x3000, s22;
	[sflag:s25] =	ssyncset.done $0x0;
	s2 =	sadd.s32 s2, s19  }
0x75: {  	s4 =	sor.u32 s4, s15;
	[sflag:s25] =	ssyncadd.s32 $0xFFFFC000;
	s2 =	sshll.u32 s2, $0x15  }
0x76: {  	[tilespmem:s16], [sflag:$0x1] =	stream.indirect.gather [hbm4b:s14+s26], $0x80, s4, s26, $0xb8;
	[tilespmem:$0x14000] =	vst v63  }
0x77: {  	s2 =	sor.u32 s7, s2;
	_ =	swait.ge [sflag:s28], $0x4000  }
0x78: {  	s2 =	sshrl.u32 s2, $0x3;
	s22 =	rddreg [dreg:$0x4];
	[sflag:s28] =	ssyncset.done $0x0  }
0x79: {  	s8 =	sshll.u32 s17, $0x18;
	s2 =	sadd.s32 s2, s22;
	[sflag:s28] =	ssyncadd.s32 $0xFFFFC000  }
0x7a: {  	[hbm4b:s2+s3] =	stream.linear.scatter [tilespmem:s20], [sflag:$0x7], $0x4000, $0x38;
	[tilespmem:$0x14000] =	vst v63  }
0x7b: {  	s2 =	sshra.s32 s8, $0x1F  }
0x7c: {  	_ =	swait.ge [sflag:s29], $0x4000;
	s2 =	sand.u32 $0x3, s2  }
0x7d: {  	[sflag:s29] =	ssyncset.done $0x0;
	s2 =	sadd.s32 s2, s17  }
0x7e: {  	s6 =	sor.u32 $0x400, s4;
	[sflag:s29] =	ssyncadd.s32 $0xFFFFC000;
	s2 =	sshll.u32 s2, $0x18  }
0x7f: {  	[tilespmem:s18], [sflag:$0x2] =	stream.indirect.gather [hbm4b:s14+s26], $0x80, s6, s26, $0xb8;
	[tilespmem:$0x14000] =	vst v63  }
0x80: {  	s9 =	sshra.s32 s17, $0x1F;
	s2 =	sshra.s32 s2, $0x1A  }
0x81: {  	s2 =	sadd.s32 s2, s9  }
0x82: {  	s2 =	sshll.u32 s2, $0x15  }
0x83: {  	_ =	swait.ge [sflag:s30], $0x4000;
	s2 =	sor.u32 s7, s2  }
0x84: {  	s10 =	rddreg [dreg:$0x5];
	[sflag:s30] =	ssyncset.done $0x0;
	s2 =	sshrl.u32 s2, $0x3  }
0x85: {  	[sflag:s30] =	ssyncadd.s32 $0xFFFFC000;
	s2 =	sadd.s32 s2, s10  }
0x86: {  	[hbm4b:s2+s3] =	stream.linear.scatter [tilespmem:s23], [sflag:$0x8], $0x4000, $0x38;
	[tilespmem:$0x14000] =	vst v63  }
0x87: {  	_ =	swait.ge [sflag:s31], $0x4000  }
0x88: {  	[sflag:s31] =	ssyncset.done $0x0  }
0x89: {  	s11 =	sor.u32 $0x800, s4;
	[sflag:s31] =	ssyncadd.s32 $0xFFFFC000  }
0x8a: {  	[tilespmem:s20], [sflag:$0x3] =	stream.indirect.gather [hbm4b:s14+s26], $0x80, s11, s26, $0xb8;
	[tilespmem:$0x14000] =	vst v63  }
0x8b: {  	_ =	swait.ge [sflag:s21], $0x4000  }
0x8c: {  	[sflag:s21] =	ssyncset.done $0x0  }
0x8d: {  	[sflag:s21] =	ssyncadd.s32 $0xFFFFC000  }
0x8e: {  	[hbm4b:s13+s3] =	stream.linear.scatter [tilespmem:s16], [sflag:$0x5], $0x4000, $0x38;
	[tilespmem:$0x14000] =	vst v63  }
0x8f: {  	_ =	swait.ge [sflag:s0], $0x4000  }
0x90: {  	[sflag:s0] =	ssyncset.done $0x0  }
0x91: {  	s12 =	sor.u32 $0xC00, s4;
	[sflag:s0] =	ssyncadd.s32 $0xFFFFC000  }
0x92: {  	[tilespmem:s23], [sflag:$0x4] =	stream.indirect.gather [hbm4b:s14+s26], $0x80, s12, s26, $0xb8;
	[tilespmem:$0x14000] =	vst v63  }
0x93: {  	_ =	swait.ge [sflag:s24], $0x4000  }
0x94: {  	[sflag:s24] =	ssyncset.done $0x0  }
0x95: {  	s15 =	sadd.s32 $0x800, s13;
	[sflag:s24] =	ssyncadd.s32 $0xFFFFC000  }
0x96: {  	[hbm4b:s15+s3] =	stream.linear.scatter [tilespmem:s18], [sflag:$0x6], $0x4000, $0x38;
	[tilespmem:$0x14000] =	vst v63  }
0x97: {  	_ =	swait.ge [sflag:s28], $0x4000  }
0x98: {  	[sflag:s28] =	ssyncset.done $0x0  }
0x99: {  	s17 =	rddreg [dreg:$0x9];
	[sflag:s28] =	ssyncadd.s32 $0xFFFFC000  }
0x9a: {  	[hbm4b:s17+s3] =	stream.linear.scatter [tilespmem:s20], [sflag:$0x7], $0x4000, $0x38;
	[tilespmem:$0x14000] =	vst v63  }
0x9b: {  	_ =	swait.ge [sflag:s30], $0x4000  }
0x9c: {  	[sflag:s30] =	ssyncset.done $0x0  }
0x9d: {  	s19 =	rddreg [dreg:$0xa];
	[sflag:s30] =	ssyncadd.s32 $0xFFFFC000  }
0x9e: {  	[hbm4b:s19+s3] =	stream.linear.scatter [tilespmem:s23], [sflag:$0x8], $0x4000, $0x38;
	[tilespmem:$0x14000] =	vst v63  }
0x9f: {  	_ =	swait.ge [sflag:s25], $0x4000  }
0xa0: {  	[sflag:s25] =	ssyncset.done $0x0  }
0xa1: {  	[sflag:s25] =	ssyncadd.s32 $0xFFFFC000  }
0xa2: {  	_ =	swait.ge [sflag:s29], $0x4000  }
0xa3: {  	[sflag:s29] =	ssyncset.done $0x0  }
0xa4: {  	[sflag:s29] =	ssyncadd.s32 $0xFFFFC000  }
0xa5: {  	_ =	swait.ge [sflag:s31], $0x4000  }
0xa6: {  	[sflag:s31] =	ssyncset.done $0x0  }
0xa7: {  	[sflag:s31] =	ssyncadd.s32 $0xFFFFC000  }
0xa8: {  	_ =	swait.ge [sflag:s0], $0x4000  }
0xa9: {  	s1 =	sadd.s32 $0x1, s1;
	s22 =	rddreg [dreg:$0xb]  }
0xaa: {  	p0 =	sne.s32 s1, s22  }
.Ltmp1:
0xab: {  	_ = 	snop;
	(pc) =	sbr.rel @p0 .LBB2_1-.Ltmp1, $3  }
0xac: {  	_ =	sdelay $0x1  }
0xad: {  	[sflag:s0] =	ssyncset.done $0x0  }
0xae: {  	[sflag:s0] =	ssyncadd.s32 $0xFFFFC000  }
0xaf: {  	_ =	sfence.sel $0x180000  }
0xb0: {  	[bflag:$0x0] =	sbarrier.arrive $0xFFFF  }
0xb1: {  	_ =	strace $0x90000047  }
0xb2: {  	s0 =	stileid.u32;
	[bflag:$0x2] =	sbarrier.arrive $0xFFFF  }
0xb3: {  	p0 =	sne.s32 s0, $0x0;
	s0 =	rddreg [dreg:$0x3]  }
0xb4: {  	s0 =	sadd.s32 @!p0 $0x100000, s0  }
0xb5: {  	[sflag:s0] =	ssyncadd.tile.s32 @!p0 $0x1;
	_ =	shalt  }
.Lfunc_end2:
_tile_overlayer_lowered:
.L_overlay_start_2:
0xb6: {  	(tag) =	ssettag $0x2  }
0xb7: {  	s0 =	rddreg [dreg:$0x0];
	s2 =	stileid.u32  }
0xb8: {  	s1 =	rddreg [dreg:$0x1];
	p0 =	sne.s32 s2, $0x0  }
0xb9: {  	s3 =	rddreg [dreg:$0x2];
	[bflag:$0x3] =	sbarrier.arrive $0xFFFF;
	s2 =	simm.s32 @!p0 $0x1C0A  }
0xba: {  	[timem:s3], [sflag:s2] =	dma.local @!p0 [hbm:s0], s1  }
0xbb: {  	s0 =	simm.s32 @!p0 $0xA  }
0xbc: {  	_ =	swait.ge @!p0 [sflag:s0], s1  }
0xbd: {  	s1 =	ssub.s32 @!p0 $0x0, s1;
	[sflag:s0] =	ssyncset.done @!p0 $0x0  }
0xbe: {  	[sflag:s0] =	ssyncadd.s32 @!p0 s1  }
0xbf: {  	[bflag:$0x3] =	sbarrier.arrive $0xFFFF  }
0xc0: {  	_ =	shalt  }

</sc_bundles>
